<compile_context>
chip_gen: v7x
topology: tpu7x:2x2x1
jax: 0.10.2.dev20260603
libtpu: 0.0.44.dev20260713+nightly
codegen_flags: <defaults>
</compile_context>

<pallas_src>
import functools

import jax
import jax.numpy as jnp
from jax import lax
from jax.experimental import pallas as pl
from jax.experimental.pallas import tpu as pltpu
from jax.experimental.pallas import tpu_sc as plsc

_N = 2048
_C = 128
_CAP = 272
_TRIG = 240
_NW = 32
_AG = _N // _NW
_ATC = 256
_BIGF = 3e38
_PADXY = 1e9


def _sc_select(sT):
    mesh = plsc.VectorSubcoreMesh(core_axis_name="c", subcore_axis_name="s")

    @functools.partial(
        pl.kernel,
        mesh=mesh,
        out_type=jax.ShapeDtypeStruct((5, _N, _C), jnp.float32),
        scratch_types=[
            pltpu.VMEM((_N,), jnp.float32),
            pltpu.VMEM((_N,), jnp.float32),
            pltpu.VMEM((_N,), jnp.float32),
            pltpu.VMEM((_N,), jnp.float32),
            pltpu.VMEM((_N,), jnp.float32),
            pltpu.VMEM((_N,), jnp.int32),
            pltpu.VMEM((_C,), jnp.int32),
            pltpu.VMEM((5, _AG, _C), jnp.float32),
            pltpu.SemaphoreType.DMA,
        ],
        compiler_params=pltpu.CompilerParams(needs_layout_passes=False),
    )
    def sel(sT_hbm, out_hbm, sx, sy, svx, svy, ckey0, cidx0, cidxf, xout, sem):
        wid = lax.axis_index("s") * 2 + lax.axis_index("c")
        base = wid * _AG
        pltpu.sync_copy(sT_hbm.at[0], sx)
        pltpu.sync_copy(sT_hbm.at[1], sy)
        pltpu.sync_copy(sT_hbm.at[2], svx)
        pltpu.sync_copy(sT_hbm.at[3], svy)
        lanes = lax.broadcasted_iota(jnp.int32, (16,), 0)

        def count_le(thr, nch, cnt0):
            def cbody(cc, acc):
                kv = ckey0[pl.ds(cc * 16, 16)]
                mm = (kv <= thr) & ((cc * 16 + lanes) < cnt0)
                return acc + mm.astype(jnp.int32)
            acc = plsc.parallel_loop(0, nch, unroll=8,
                                     carry=jnp.zeros((16,), jnp.int32))(cbody)
            return jnp.sum(acc)

        def per_agent(a, _):
            i = base + a
            isplat = i + jnp.zeros((16,), jnp.int32)
            six = plsc.load_gather(sx, [isplat])
            siy = plsc.load_gather(sy, [isplat])
            sivx = plsc.load_gather(svx, [isplat])
            sivy = plsc.load_gather(svy, [isplat])
            bound0 = jnp.float32(1.0 + 3e-6)

            def kchunk(c, bsplat):
                kx = sx[pl.ds(c * 16, 16)]
                ky = sy[pl.ds(c * 16, 16)]
                dx = six - kx
                dy = siy - ky
                keyv = (dx * dx + 1e-6) + (dy * dy + 1e-6)
                m = keyv <= bound0
                pos = bsplat + plsc.cumsum(m.astype(jnp.int32)) - 1
                plsc.store_scatter(ckey0, [pos], keyv, mask=m)
                plsc.store_scatter(cidx0, [pos], c * 16 + lanes, mask=m)
                return bsplat + plsc.all_reduce_population_count(m)

            bs0 = plsc.parallel_loop(0, _N // 16, unroll=8,
                                     carry=jnp.zeros((16,), jnp.int32))(
                                         kchunk)
            c0 = jnp.max(bs0)
            nch = (c0 + 15) >> 4

            def r_cond(st):
                _, _, c, it = st
                return (c > _C) & (it < 24)

            def r_body(st):
                vlo, vhi, c, it = st
                mid = vlo + ((vhi - vlo) >> 1)
                thr16 = plsc.bitcast(mid + jnp.zeros((16,), jnp.int32),
                                     jnp.float32)
                thr = jnp.max(thr16)
                cm = count_le(thr, nch, c0)
                ok = cm >= 64
                vhi = jnp.where(ok, mid, vhi)
                vlo = jnp.where(ok, vlo, mid + 1)
                c = jnp.where(ok, cm, c)
                return (vlo, vhi, c, it + 1)

            b0bits = jnp.int32(0x3F800019)
            _, vhib, cnt, _ = lax.while_loop(
                r_cond, r_body, (jnp.int32(0), b0bits, c0, jnp.int32(0)))
            bound16 = plsc.bitcast(vhib + jnp.zeros((16,), jnp.int32),
                                   jnp.float32)
            bound = jnp.max(bound16)

            def cchunk(c, bsplat):
                kv = ckey0[pl.ds(c * 16, 16)]
                iv0 = cidx0[pl.ds(c * 16, 16)]
                m = (kv <= bound) & ((c * 16 + lanes) < c0)
                pos = bsplat + plsc.cumsum(m.astype(jnp.int32)) - 1
                pos = jnp.minimum(pos, _C - 1)
                plsc.store_scatter(cidxf, [pos], iv0, mask=m)
                return bsplat + plsc.all_reduce_population_count(m)

            bsplat = plsc.parallel_loop(0, nch, unroll=8,
                                         carry=jnp.zeros((16,), jnp.int32))(
                                             cchunk)
            cnt = jnp.minimum(jnp.max(bsplat), _C)

            for cc in range(_C // 16):
                off = cc * 16
                valid = (off + lanes) < cnt
                iv = cidxf[pl.ds(off, 16)]
                iv = jnp.where(valid, iv, i)
                gx = plsc.load_gather(sx, [iv])
                gy = plsc.load_gather(sy, [iv])
                gvx = plsc.load_gather(svx, [iv])
                gvy = plsc.load_gather(svy, [iv])
                xout[0, a, pl.ds(off, 16)] = jnp.where(
                    valid, six - gx, jnp.float32(_PADXY))
                xout[1, a, pl.ds(off, 16)] = jnp.where(
                    valid, siy - gy, jnp.float32(_PADXY))
                xout[2, a, pl.ds(off, 16)] = jnp.where(valid, sivx - gvx, 0.0)
                xout[3, a, pl.ds(off, 16)] = jnp.where(valid, sivy - gvy, 0.0)
                xout[4, a, pl.ds(off, 16)] = jnp.where(
                    valid & (iv == i), 1.0, 0.0)
            return 0

        lax.fori_loop(0, _AG, per_agent, 0)
        for ch in range(5):
            pltpu.sync_copy(xout.at[ch], out_hbm.at[ch, pl.ds(base, _AG)])

    return sel(sT)


def _tc_body(x_ref, s_ref, g_ref, W1, b1, W2, b2, Wf1, bf1, Wf2, bf2,
             Wf3, bf3, Wf4, bf4, out_ref):
    A = _ATC
    X = x_ref[...].reshape(5, A * _C)
    dxf = x_ref[0]
    dyf = x_ref[1]
    key = (dxf * dxf + 1e-6) + (dyf * dyf + 1e-6)
    kb = lax.bitcast_convert_type(key, jnp.int32)
    kbT = kb.T
    onesC = jnp.ones((1, _C), jnp.float32)

    def bs(_, lohi):
        lo, hi = lohi
        mid = lo + ((hi - lo) >> 1)
        cmp = (kbT <= mid).astype(jnp.float32)
        cnt = jnp.dot(onesC, cmp, preferred_element_type=jnp.float32)
        ok = cnt >= 64.0
        return (jnp.where(ok, lo, mid + 1), jnp.where(ok, mid, hi))

    lo0 = jnp.full((1, A), jnp.int32(0x35863268))
    hi0 = jnp.full((1, A), jnp.int32(0x3F800019))
    _, thr = lax.fori_loop(0, 28, bs, (lo0, hi0))
    mtop = kb <= thr.T
    mrad = jnp.sqrt(dxf * dxf + dyf * dyf) < 1.0
    msk = (mtop & mrad).astype(jnp.float32)

    h = jnp.maximum(
        lax.dot_general(X, W1[...], (((0,), (0,)), ((), ())),
                        preferred_element_type=jnp.float32) + b1[...], 0.0)
    h = jnp.maximum(jnp.dot(h, W2[...],
                            preferred_element_type=jnp.float32) + b2[...], 0.0)
    h3 = h.reshape(A, _C, 128) * msk[:, :, None]
    hm = jnp.max(h3, axis=1)

    s = s_ref[...]
    sg = s[:, :2] - g_ref[...]
    feat = jnp.concatenate([hm, sg, s[:, 2:]], axis=1)
    y = jnp.maximum(jnp.dot(feat, Wf1[...],
                            preferred_element_type=jnp.float32) + bf1[...], 0.0)
    y = jnp.maximum(jnp.dot(y, Wf2[...],
                            preferred_element_type=jnp.float32) + bf2[...], 0.0)
    y = jnp.maximum(jnp.dot(y, Wf3[...],
                            preferred_element_type=jnp.float32) + bf3[...], 0.0)
    y = jnp.dot(y, Wf4[...],
                preferred_element_type=jnp.float32) + bf4[...]
    y = 2.0 * jax.nn.sigmoid(y) + 0.2
    a_x = -(y[:, 0:1] * sg[:, 0:1] + y[:, 1:2] * s[:, 2:3])
    a_y = -(y[:, 2:3] * sg[:, 1:2] + y[:, 3:4] * s[:, 3:4])
    out_ref[...] = jnp.concatenate([a_x, a_y], axis=1)


def _tc_stage(xcand, s, g, W1, b1, W2, b2, Wf1, bf1, Wf2, bf2, Wf3,
              bf3, Wf4, bf4):
    grid = (_N // _ATC,)
    full = lambda arr: pl.BlockSpec(arr.shape, lambda i: (0,) * arr.ndim)
    in_specs = [
        pl.BlockSpec((5, _ATC, _C), lambda i: (0, i, 0)),
        pl.BlockSpec((_ATC, 4), lambda i: (i, 0)),
        pl.BlockSpec((_ATC, 2), lambda i: (i, 0)),
    ] + [full(w) for w in (W1, b1, W2, b2, Wf1, bf1, Wf2, bf2, Wf3,
                           bf3, Wf4, bf4)]
    return pl.pallas_call(
        _tc_body,
        grid=grid,
        in_specs=in_specs,
        out_specs=pl.BlockSpec((_ATC, 2), lambda i: (i, 0)),
        out_shape=jax.ShapeDtypeStruct((_N, 2), jnp.float32),
    )(xcand, s, g, W1, b1, W2, b2, Wf1, bf1, Wf2, bf2, Wf3, bf3,
      Wf4, bf4)


def kernel(s, g, W1, b1, W2, b2, Wf1, bf1, Wf2, bf2, Wf3, bf3, Wf4, bf4):
    sT = s.T
    xcand = _sc_select(sT)
    return _tc_stage(
        xcand, s, g,
        W1, b1.reshape(1, -1), W2, b2.reshape(1, -1),
        Wf1, bf1.reshape(1, -1), Wf2, bf2.reshape(1, -1),
        Wf3, bf3.reshape(1, -1), Wf4, bf4.reshape(1, -1))

# --- scband reference (transcript-rebuilt; emitter-appended) ---
"""Pipeline reference for scband-network-action-6871947674333 (READ-ONLY COPY).

The authoritative reference and input builder live on the scoring server;
editing this copy changes nothing except your own understanding.
"""

import jax, jax.numpy as jnp
import numpy as np

TOP_K = 64
N = 2048

def _lin(k, fi, fo):
    b = 1.0 / np.sqrt(fi)
    kw, kb = jax.random.split(k)
    W = jax.random.uniform(kw, (fi, fo), minval=-b, maxval=b, dtype=jnp.float32)
    bb = jax.random.uniform(kb, (fo,), minval=-b, maxval=b, dtype=jnp.float32)
    return W, bb

def setup_inputs(seed: int = 0):
    key = jax.random.key(seed)
    ks = jax.random.split(key, 8)
    inp = {}
    inp['s'] = jax.random.normal(ks[0], (N, 4), dtype=jnp.float32)
    inp['g'] = jax.random.normal(ks[1], (N, 2), dtype=jnp.float32)
    inp['W1'], inp['b1'] = _lin(ks[2], 5, 64)
    inp['W2'], inp['b2'] = _lin(ks[3], 64, 128)
    inp['Wf1'], inp['bf1'] = _lin(ks[4], 132, 64)
    inp['Wf2'], inp['bf2'] = _lin(ks[5], 64, 128)
    inp['Wf3'], inp['bf3'] = _lin(ks[6], 128, 64)
    inp['Wf4'], inp['bf4'] = _lin(ks[7], 64, 4)
    return inp

def reference(s, g, W1, b1, W2, b2, Wf1, bf1, Wf2, bf2, Wf3, bf3, Wf4, bf4):
    n = s.shape[0]
    # pairwise relative states + identity channel: [n, n, 5]
    x = s[:, None, :] - s[None, :, :]
    x = jnp.concatenate([x, jnp.eye(n, dtype=s.dtype)[:, :, None]], axis=2)
    # remove_distant_agents: keep TOP_K nearest neighbors per agent
    if n > TOP_K:
        d_norm = jnp.sqrt(jnp.sum(jnp.square(x[:, :, :2]) + 1e-06, axis=2))
        _, idx = jax.lax.top_k(-d_norm, TOP_K)
        x = jnp.take_along_axis(x, idx[:, :, None], axis=1)  # [n, TOP_K, 5]
    dist = jnp.sqrt(jnp.sum(jnp.square(x[:, :, :2]), axis=2, keepdims=True))  # [n, K, 1]
    mask = (dist < 1.0).astype(x.dtype)
    # Conv1d with kernel_size=1 == per-point linear layer
    h = jax.nn.relu(x @ W1 + b1)          # [n, K, 64]
    h = jax.nn.relu(h @ W2 + b2)          # [n, K, 128]
    h = jnp.max(h * mask, axis=1)          # [n, 128]
    feat = jnp.concatenate([h, s[:, :2] - g, s[:, 2:]], axis=1)  # [n, 132]
    y = jax.nn.relu(feat @ Wf1 + bf1)
    y = jax.nn.relu(y @ Wf2 + bf2)
    y = jax.nn.relu(y @ Wf3 + bf3)
    y = y @ Wf4 + bf4
    y = 2.0 * jax.nn.sigmoid(y) + 0.2      # [n, 4]
    k1, k2, k3, k4 = jnp.split(y, 4, axis=1)
    z = jnp.zeros_like(k1)
    gain_x = -jnp.concatenate([k1, z, k2, z], axis=1)
    gain_y = -jnp.concatenate([z, k3, z, k4], axis=1)
    state = jnp.concatenate([s[:, :2] - g, s[:, 2:]], axis=1)
    a_x = jnp.sum(state * gain_x, axis=1, keepdims=True)
    a_y = jnp.sum(state * gain_y, axis=1, keepdims=True)
    return jnp.concatenate([a_x, a_y], axis=1)

if __name__ == "__main__":
    import jax
    _d = setup_inputs()
    print(jax.jit(kernel)(*tuple(_d.values())))

</pallas_src>

<mosaic_0001>
#map = affine_map<(d0, d1) -> (0, 0)>
#map1 = affine_map<(d0, d1) -> (0, 0, 0)>
module attributes {stable_mosaic.version = 14 : i64} {
  func.func @sel(%arg0: i32, %arg1: i32, %arg2: memref<4x2048xf32, #tpu.memory_space<hbm>>, %arg3: memref<5x2048x128xf32, #tpu.memory_space<hbm>>, %arg4: memref<2048xf32, #tpu.memory_space<vmem>>, %arg5: memref<2048xf32, #tpu.memory_space<vmem>>, %arg6: memref<2048xf32, #tpu.memory_space<vmem>>, %arg7: memref<2048xf32, #tpu.memory_space<vmem>>, %arg8: memref<2048xf32, #tpu.memory_space<vmem>>, %arg9: memref<2048xi32, #tpu.memory_space<vmem>>, %arg10: memref<128xi32, #tpu.memory_space<vmem>>, %arg11: memref<5x64x128xf32, #tpu.memory_space<vmem>>, %arg12: memref<!tpu.dma_semaphore, #tpu.memory_space<semaphore_mem>>) attributes {dimension_semantics = [#tpu.dimension_semantics<core_parallel>, #tpu.dimension_semantics<subcore_parallel>], iteration_bounds = array<i64: 2, 16>, scalar_prefetch = 0 : i64, scratch_operands = 9 : i64, tpu.core_type = #tpu.core_type<sc_vector_subcore>, window_params = [{transform_indices = #map}, {transform_indices = #map1}]} {
    %mul3A = arith.constant 2 : i32
    %mul3A_0 = arith.muli %arg1, %mul3A : i32
    %add3A = arith.addi %mul3A_0, %arg0 : i32
    %mul3A_1 = arith.constant 64 : i32
    %mul3A_2 = arith.muli %add3A, %mul3A_1 : i32
    %run_scoped3A = arith.constant 0 : i32
    "tpu.region"() ({
      %run_scoped3A_22 = tpu.sem_alloc : memref<!tpu.dma_semaphore, #tpu.memory_space<semaphore_mem>>
      %dma_start3A = arith.constant 0 : i32
      %dma_start3A_23 = tpu.memref_slice %arg2[%run_scoped3A, %dma_start3A] : memref<4x2048xf32, #tpu.memory_space<hbm>> -> memref<1x2048xf32, #tpu.memory_space<hbm>>
      %dma_start3A_24 = tpu.memref_squeeze %dma_start3A_23 : memref<1x2048xf32, #tpu.memory_space<hbm>> -> memref<2048xf32, #tpu.memory_space<hbm>>
      %dma_start3A_25 = arith.constant 0 : i32
      %dma_start3A_26 = tpu.memref_slice %arg2[%run_scoped3A, %dma_start3A_25] : memref<4x2048xf32, #tpu.memory_space<hbm>> -> memref<1x2048xf32, #tpu.memory_space<hbm>>
      %dma_start3A_27 = tpu.memref_squeeze %dma_start3A_26 : memref<1x2048xf32, #tpu.memory_space<hbm>> -> memref<2048xf32, #tpu.memory_space<hbm>>
      tpu.enqueue_dma source(%dma_start3A_27 : memref<2048xf32, #tpu.memory_space<hbm>>) target(%arg4 : memref<2048xf32, #tpu.memory_space<vmem>>) target_semaphore(%run_scoped3A_22 : memref<!tpu.dma_semaphore, #tpu.memory_space<semaphore_mem>>)
      %dma_wait3A = arith.constant 0 : i32
      %dma_wait3A_28 = tpu.memref_slice %arg2[%run_scoped3A, %dma_wait3A] : memref<4x2048xf32, #tpu.memory_space<hbm>> -> memref<1x2048xf32, #tpu.memory_space<hbm>>
      %dma_wait3A_29 = tpu.memref_squeeze %dma_wait3A_28 : memref<1x2048xf32, #tpu.memory_space<hbm>> -> memref<2048xf32, #tpu.memory_space<hbm>>
      %dma_wait3A_30 = arith.constant 0 : i32
      %dma_wait3A_31 = tpu.memref_slice %arg2[%run_scoped3A, %dma_wait3A_30] : memref<4x2048xf32, #tpu.memory_space<hbm>> -> memref<1x2048xf32, #tpu.memory_space<hbm>>
      %dma_wait3A_32 = tpu.memref_squeeze %dma_wait3A_31 : memref<1x2048xf32, #tpu.memory_space<hbm>> -> memref<2048xf32, #tpu.memory_space<hbm>>
      tpu.wait_dma2 semaphore(%run_scoped3A_22 : memref<!tpu.dma_semaphore, #tpu.memory_space<semaphore_mem>>) src(%dma_wait3A_32 : memref<2048xf32, #tpu.memory_space<hbm>>) dst(%arg4 : memref<2048xf32, #tpu.memory_space<vmem>>)
      tpu.yield
    }) : () -> ()
    %run_scoped3A_3 = arith.constant 1 : i32
    "tpu.region"() ({
      %run_scoped3A_22 = tpu.sem_alloc : memref<!tpu.dma_semaphore, #tpu.memory_space<semaphore_mem>>
      %dma_start3A = arith.constant 0 : i32
      %dma_start3A_23 = tpu.memref_slice %arg2[%run_scoped3A_3, %dma_start3A] : memref<4x2048xf32, #tpu.memory_space<hbm>> -> memref<1x2048xf32, #tpu.memory_space<hbm>>
      %dma_start3A_24 = tpu.memref_squeeze %dma_start3A_23 : memref<1x2048xf32, #tpu.memory_space<hbm>> -> memref<2048xf32, #tpu.memory_space<hbm>>
      %dma_start3A_25 = arith.constant 0 : i32
      %dma_start3A_26 = tpu.memref_slice %arg2[%run_scoped3A_3, %dma_start3A_25] : memref<4x2048xf32, #tpu.memory_space<hbm>> -> memref<1x2048xf32, #tpu.memory_space<hbm>>
      %dma_start3A_27 = tpu.memref_squeeze %dma_start3A_26 : memref<1x2048xf32, #tpu.memory_space<hbm>> -> memref<2048xf32, #tpu.memory_space<hbm>>
      tpu.enqueue_dma source(%dma_start3A_27 : memref<2048xf32, #tpu.memory_space<hbm>>) target(%arg5 : memref<2048xf32, #tpu.memory_space<vmem>>) target_semaphore(%run_scoped3A_22 : memref<!tpu.dma_semaphore, #tpu.memory_space<semaphore_mem>>)
      %dma_wait3A = arith.constant 0 : i32
      %dma_wait3A_28 = tpu.memref_slice %arg2[%run_scoped3A_3, %dma_wait3A] : memref<4x2048xf32, #tpu.memory_space<hbm>> -> memref<1x2048xf32, #tpu.memory_space<hbm>>
      %dma_wait3A_29 = tpu.memref_squeeze %dma_wait3A_28 : memref<1x2048xf32, #tpu.memory_space<hbm>> -> memref<2048xf32, #tpu.memory_space<hbm>>
      %dma_wait3A_30 = arith.constant 0 : i32
      %dma_wait3A_31 = tpu.memref_slice %arg2[%run_scoped3A_3, %dma_wait3A_30] : memref<4x2048xf32, #tpu.memory_space<hbm>> -> memref<1x2048xf32, #tpu.memory_space<hbm>>
      %dma_wait3A_32 = tpu.memref_squeeze %dma_wait3A_31 : memref<1x2048xf32, #tpu.memory_space<hbm>> -> memref<2048xf32, #tpu.memory_space<hbm>>
      tpu.wait_dma2 semaphore(%run_scoped3A_22 : memref<!tpu.dma_semaphore, #tpu.memory_space<semaphore_mem>>) src(%dma_wait3A_32 : memref<2048xf32, #tpu.memory_space<hbm>>) dst(%arg5 : memref<2048xf32, #tpu.memory_space<vmem>>)
      tpu.yield
    }) : () -> ()
    %run_scoped3A_4 = arith.constant 2 : i32
    "tpu.region"() ({
      %run_scoped3A_22 = tpu.sem_alloc : memref<!tpu.dma_semaphore, #tpu.memory_space<semaphore_mem>>
      %dma_start3A = arith.constant 0 : i32
      %dma_start3A_23 = tpu.memref_slice %arg2[%run_scoped3A_4, %dma_start3A] : memref<4x2048xf32, #tpu.memory_space<hbm>> -> memref<1x2048xf32, #tpu.memory_space<hbm>>
      %dma_start3A_24 = tpu.memref_squeeze %dma_start3A_23 : memref<1x2048xf32, #tpu.memory_space<hbm>> -> memref<2048xf32, #tpu.memory_space<hbm>>
      %dma_start3A_25 = arith.constant 0 : i32
      %dma_start3A_26 = tpu.memref_slice %arg2[%run_scoped3A_4, %dma_start3A_25] : memref<4x2048xf32, #tpu.memory_space<hbm>> -> memref<1x2048xf32, #tpu.memory_space<hbm>>
      %dma_start3A_27 = tpu.memref_squeeze %dma_start3A_26 : memref<1x2048xf32, #tpu.memory_space<hbm>> -> memref<2048xf32, #tpu.memory_space<hbm>>
      tpu.enqueue_dma source(%dma_start3A_27 : memref<2048xf32, #tpu.memory_space<hbm>>) target(%arg6 : memref<2048xf32, #tpu.memory_space<vmem>>) target_semaphore(%run_scoped3A_22 : memref<!tpu.dma_semaphore, #tpu.memory_space<semaphore_mem>>)
      %dma_wait3A = arith.constant 0 : i32
      %dma_wait3A_28 = tpu.memref_slice %arg2[%run_scoped3A_4, %dma_wait3A] : memref<4x2048xf32, #tpu.memory_space<hbm>> -> memref<1x2048xf32, #tpu.memory_space<hbm>>
      %dma_wait3A_29 = tpu.memref_squeeze %dma_wait3A_28 : memref<1x2048xf32, #tpu.memory_space<hbm>> -> memref<2048xf32, #tpu.memory_space<hbm>>
      %dma_wait3A_30 = arith.constant 0 : i32
      %dma_wait3A_31 = tpu.memref_slice %arg2[%run_scoped3A_4, %dma_wait3A_30] : memref<4x2048xf32, #tpu.memory_space<hbm>> -> memref<1x2048xf32, #tpu.memory_space<hbm>>
      %dma_wait3A_32 = tpu.memref_squeeze %dma_wait3A_31 : memref<1x2048xf32, #tpu.memory_space<hbm>> -> memref<2048xf32, #tpu.memory_space<hbm>>
      tpu.wait_dma2 semaphore(%run_scoped3A_22 : memref<!tpu.dma_semaphore, #tpu.memory_space<semaphore_mem>>) src(%dma_wait3A_32 : memref<2048xf32, #tpu.memory_space<hbm>>) dst(%arg6 : memref<2048xf32, #tpu.memory_space<vmem>>)
      tpu.yield
    }) : () -> ()
    %run_scoped3A_5 = arith.constant 3 : i32
    "tpu.region"() ({
      %run_scoped3A_22 = tpu.sem_alloc : memref<!tpu.dma_semaphore, #tpu.memory_space<semaphore_mem>>
      %dma_start3A = arith.constant 0 : i32
      %dma_start3A_23 = tpu.memref_slice %arg2[%run_scoped3A_5, %dma_start3A] : memref<4x2048xf32, #tpu.memory_space<hbm>> -> memref<1x2048xf32, #tpu.memory_space<hbm>>
      %dma_start3A_24 = tpu.memref_squeeze %dma_start3A_23 : memref<1x2048xf32, #tpu.memory_space<hbm>> -> memref<2048xf32, #tpu.memory_space<hbm>>
      %dma_start3A_25 = arith.constant 0 : i32
      %dma_start3A_26 = tpu.memref_slice %arg2[%run_scoped3A_5, %dma_start3A_25] : memref<4x2048xf32, #tpu.memory_space<hbm>> -> memref<1x2048xf32, #tpu.memory_space<hbm>>
      %dma_start3A_27 = tpu.memref_squeeze %dma_start3A_26 : memref<1x2048xf32, #tpu.memory_space<hbm>> -> memref<2048xf32, #tpu.memory_space<hbm>>
      tpu.enqueue_dma source(%dma_start3A_27 : memref<2048xf32, #tpu.memory_space<hbm>>) target(%arg7 : memref<2048xf32, #tpu.memory_space<vmem>>) target_semaphore(%run_scoped3A_22 : memref<!tpu.dma_semaphore, #tpu.memory_space<semaphore_mem>>)
      %dma_wait3A = arith.constant 0 : i32
      %dma_wait3A_28 = tpu.memref_slice %arg2[%run_scoped3A_5, %dma_wait3A] : memref<4x2048xf32, #tpu.memory_space<hbm>> -> memref<1x2048xf32, #tpu.memory_space<hbm>>
      %dma_wait3A_29 = tpu.memref_squeeze %dma_wait3A_28 : memref<1x2048xf32, #tpu.memory_space<hbm>> -> memref<2048xf32, #tpu.memory_space<hbm>>
      %dma_wait3A_30 = arith.constant 0 : i32
      %dma_wait3A_31 = tpu.memref_slice %arg2[%run_scoped3A_5, %dma_wait3A_30] : memref<4x2048xf32, #tpu.memory_space<hbm>> -> memref<1x2048xf32, #tpu.memory_space<hbm>>
      %dma_wait3A_32 = tpu.memref_squeeze %dma_wait3A_31 : memref<1x2048xf32, #tpu.memory_space<hbm>> -> memref<2048xf32, #tpu.memory_space<hbm>>
      tpu.wait_dma2 semaphore(%run_scoped3A_22 : memref<!tpu.dma_semaphore, #tpu.memory_space<semaphore_mem>>) src(%dma_wait3A_32 : memref<2048xf32, #tpu.memory_space<hbm>>) dst(%arg7 : memref<2048xf32, #tpu.memory_space<vmem>>)
      tpu.yield
    }) : () -> ()
    %iota3A = tpu.iota {dimensions = array<i32: 0>} : vector<16xi32>
    %scan3A = arith.constant 0 : i32
    %scan3A_6 = arith.constant 0 : i32
    %scan3A_7 = arith.constant 64 : i32
    %scan3A_8 = arith.addi %scan3A_6, %scan3A_7 : i32
    %scan3A_9 = arith.constant 1 : i32
    %scan3A_10 = scf.for %scan3A_22 = %scan3A_6 to %scan3A_8 step %scan3A_9 iter_args(%scan3A_23 = %scan3A) -> (i32)  : i32 {
      %add3A_24 = arith.addi %mul3A_2, %scan3A_22 : i32
      %broadcast_in_dim3A = arith.constant 0 : i32
      %broadcast_in_dim3A_25 = vector.broadcast %broadcast_in_dim3A : i32 to vector<16xi32>
      %add3A_26 = vector.broadcast %add3A_24 : i32 to vector<16xi32>
      %add3A_27 = arith.addi %add3A_26, %broadcast_in_dim3A_25 : vector<16xi32>
      %gather3A = tpu.vector_load_idx %arg4[%add3A_27] : memref<2048xf32, #tpu.memory_space<vmem>>[vector<16xi32>], vector<16xf32>,
      %gather3A_28 = tpu.vector_load_idx %arg5[%add3A_27] : memref<2048xf32, #tpu.memory_space<vmem>>[vector<16xi32>], vector<16xf32>,
      %gather3A_29 = tpu.vector_load_idx %arg6[%add3A_27] : memref<2048xf32, #tpu.memory_space<vmem>>[vector<16xi32>], vector<16xf32>,
      %gather3A_30 = tpu.vector_load_idx %arg7[%add3A_27] : memref<2048xf32, #tpu.memory_space<vmem>>[vector<16xi32>], vector<16xf32>,
      %broadcast_in_dim3A_31 = arith.constant 0 : i32
      %broadcast_in_dim3A_32 = vector.broadcast %broadcast_in_dim3A_31 : i32 to vector<16xi32>
      %parallel_loop3A = arith.constant 0 : i32
      %parallel_loop3A_33 = arith.constant 128 : i32
      %parallel_loop3A_34 = arith.constant 1 : i32
      %parallel_loop3A_35 = arith.constant 1.00000298 : f32
      %parallel_loop3A_36 = scf.for %parallel_loop3A_561 = %parallel_loop3A to %parallel_loop3A_33 step %parallel_loop3A_34 iter_args(%parallel_loop3A_562 = %broadcast_in_dim3A_32) -> (vector<16xi32>)  : i32 {
        %parallel_loop3A_563 = arith.constant 16 : i32
        %parallel_loop3A_564 = arith.muli %parallel_loop3A_561, %parallel_loop3A_563 : i32
        %parallel_loop3A_565 = arith.index_cast %parallel_loop3A_564 : i32 to index
        %parallel_loop3A_566 = tpu.vector_load %arg4[%parallel_loop3A_565] {strides = array<i32>} : memref<2048xf32, #tpu.memory_space<vmem>>, vector<16xf32>,
        %parallel_loop3A_567 = arith.constant 16 : i32
        %parallel_loop3A_568 = arith.muli %parallel_loop3A_561, %parallel_loop3A_567 : i32
        %parallel_loop3A_569 = arith.index_cast %parallel_loop3A_568 : i32 to index
        %parallel_loop3A_570 = tpu.vector_load %arg5[%parallel_loop3A_569] {strides = array<i32>} : memref<2048xf32, #tpu.memory_space<vmem>>, vector<16xf32>,
        %parallel_loop3A_571 = arith.subf %gather3A, %parallel_loop3A_566 : vector<16xf32>
        %parallel_loop3A_572 = arith.subf %gather3A_28, %parallel_loop3A_570 : vector<16xf32>
        %parallel_loop3A_573 = arith.mulf %parallel_loop3A_571, %parallel_loop3A_571 : vector<16xf32>
        %parallel_loop3A_574 = arith.constant 9.99999997E-7 : f32
        %parallel_loop3A_575 = vector.broadcast %parallel_loop3A_574 : f32 to vector<16xf32>
        %parallel_loop3A_576 = arith.addf %parallel_loop3A_573, %parallel_loop3A_575 : vector<16xf32>
        %parallel_loop3A_577 = arith.mulf %parallel_loop3A_572, %parallel_loop3A_572 : vector<16xf32>
        %parallel_loop3A_578 = arith.constant 9.99999997E-7 : f32
        %parallel_loop3A_579 = vector.broadcast %parallel_loop3A_578 : f32 to vector<16xf32>
        %parallel_loop3A_580 = arith.addf %parallel_loop3A_577, %parallel_loop3A_579 : vector<16xf32>
        %parallel_loop3A_581 = arith.addf %parallel_loop3A_576, %parallel_loop3A_580 : vector<16xf32>
        %parallel_loop3A_582 = vector.broadcast %parallel_loop3A_35 : f32 to vector<16xf32>
        %parallel_loop3A_583 = arith.cmpf ole, %parallel_loop3A_581, %parallel_loop3A_582 : vector<16xf32>
        %parallel_loop3A_584 = arith.extui %parallel_loop3A_583 : vector<16xi1> to vector<16xi32>
        %parallel_loop3A_585 = arith.constant true
        %parallel_loop3A_586 = vector.broadcast %parallel_loop3A_585 : i1 to vector<16xi1>
        %parallel_loop3A_587 = tpu.scan <sum>, %parallel_loop3A_584 masked %parallel_loop3A_586 : vector<16xi32>, vector<16xi1> -> vector<16xi32>
        %parallel_loop3A_588 = arith.addi %parallel_loop3A_562, %parallel_loop3A_587 : vector<16xi32>
        %parallel_loop3A_589 = arith.constant 1 : i32
        %parallel_loop3A_590 = vector.broadcast %parallel_loop3A_589 : i32 to vector<16xi32>
        %parallel_loop3A_591 = arith.subi %parallel_loop3A_588, %parallel_loop3A_590 : vector<16xi32>
        tpu.vector_store_idx %arg8[%parallel_loop3A_591], %parallel_loop3A_581 masked %parallel_loop3A_583 : memref<2048xf32, #tpu.memory_space<vmem>>[vector<16xi32>], vector<16xf32>, vector<16xi1>
        %parallel_loop3A_592 = arith.constant 16 : i32
        %parallel_loop3A_593 = arith.muli %parallel_loop3A_561, %parallel_loop3A_592 : i32
        %parallel_loop3A_594 = vector.broadcast %parallel_loop3A_593 : i32 to vector<16xi32>
        %parallel_loop3A_595 = arith.addi %parallel_loop3A_594, %iota3A : vector<16xi32>
        tpu.vector_store_idx %arg9[%parallel_loop3A_591], %parallel_loop3A_595 masked %parallel_loop3A_583 : memref<2048xi32, #tpu.memory_space<vmem>>[vector<16xi32>], vector<16xi32>, vector<16xi1>
        %parallel_loop3A_596 = tpu.all_reduce %parallel_loop3A_583 {dim = 0 : i64, kind = #tpu.reduction_kind<sum>} : vector<16xi1> -> vector<16xi32>
        %parallel_loop3A_597 = arith.addi %parallel_loop3A_562, %parallel_loop3A_596 : vector<16xi32>
        scf.yield %parallel_loop3A_597 : vector<16xi32>
      } {sc.loop_unroll_factor = 8 : i64, sc.parallel_access}
      %reduce_max3A = arith.constant true
      %reduce_max3A_37 = vector.broadcast %reduce_max3A : i1 to vector<16xi1>
      %reduce_max3A_38 = arith.constant -2147483648 : i32
      %reduce_max3A_39 = vector.broadcast %reduce_max3A_38 : i32 to vector<16xi32>
      %reduce_max3A_40 = arith.xori %parallel_loop3A_36, %reduce_max3A_39 : vector<16xi32>
      %reduce_max3A_41 = tpu.scan <max>, %reduce_max3A_40 masked %reduce_max3A_37 : vector<16xi32>, vector<16xi1> -> vector<16xi32>
      %reduce_max3A_42 = arith.xori %reduce_max3A_41, %reduce_max3A_39 : vector<16xi32>
      %reduce_max3A_43 = vector.extract %reduce_max3A_42[15] : i32 from vector<16xi32>
      %add3A_44 = arith.constant 15 : i32
      %add3A_45 = arith.addi %reduce_max3A_43, %add3A_44 : i32
      %shift_right_arithmetic3A = arith.constant 4 : i32
      %shift_right_arithmetic3A_46 = arith.shrsi %add3A_45, %shift_right_arithmetic3A : i32
      %while3A = arith.constant 0 : i32
      %while3A_47 = arith.constant 1065353241 : i32
      %while3A_48 = arith.constant 0 : i32
      %while3A_49:4 = scf.while (%while3A_561 = %while3A, %while3A_562 = %while3A_47, %while3A_563 = %reduce_max3A_43, %while3A_564 = %while3A_48) : (i32, i32, i32, i32) -> (i32, i32, i32, i32) {
        %gt3A = arith.constant 128 : i32
        %gt3A_565 = arith.cmpi sgt, %while3A_563, %gt3A : i32
        %lt3A_566 = arith.constant 24 : i32
        %lt3A_567 = arith.cmpi slt, %while3A_564, %lt3A_566 : i32
        %and3A_568 = arith.andi %gt3A_565, %lt3A_567 : i1
        scf.condition(%and3A_568) %while3A_561, %while3A_562, %while3A_563, %while3A_564 : i32, i32, i32, i32
      } do {
      ^bb0(%while3A_561: i32, %while3A_562: i32, %while3A_563: i32, %while3A_564: i32):
        %sub3A_565 = arith.subi %while3A_562, %while3A_561 : i32
        %shift_right_arithmetic3A_566 = arith.constant 1 : i32
        %shift_right_arithmetic3A_567 = arith.shrsi %sub3A_565, %shift_right_arithmetic3A_566 : i32
        %add3A_568 = arith.addi %while3A_561, %shift_right_arithmetic3A_567 : i32
        %broadcast_in_dim3A_569 = arith.constant 0 : i32
        %broadcast_in_dim3A_570 = vector.broadcast %broadcast_in_dim3A_569 : i32 to vector<16xi32>
        %add3A_571 = vector.broadcast %add3A_568 : i32 to vector<16xi32>
        %add3A_572 = arith.addi %add3A_571, %broadcast_in_dim3A_570 : vector<16xi32>
        %bitcast3A_573 = vector.bitcast %add3A_572 : vector<16xi32> to vector<16xf32>
        %reduce_max3A_574 = arith.constant true
        %reduce_max3A_575 = vector.broadcast %reduce_max3A_574 : i1 to vector<16xi1>
        %reduce_max3A_576 = tpu.scan <max>, %bitcast3A_573 masked %reduce_max3A_575 : vector<16xf32>, vector<16xi1> -> vector<16xf32>
        %reduce_max3A_577 = vector.extract %reduce_max3A_576[15] : f32 from vector<16xf32>
        %broadcast_in_dim3A_578 = arith.constant 0 : i32
        %broadcast_in_dim3A_579 = vector.broadcast %broadcast_in_dim3A_578 : i32 to vector<16xi32>
        %parallel_loop3A_580 = arith.constant 0 : i32
        %parallel_loop3A_581 = arith.constant 1 : i32
        %parallel_loop3A_582 = scf.for %parallel_loop3A_594 = %parallel_loop3A_580 to %shift_right_arithmetic3A_46 step %parallel_loop3A_581 iter_args(%parallel_loop3A_595 = %broadcast_in_dim3A_579) -> (vector<16xi32>)  : i32 {
          %parallel_loop3A_596 = arith.constant 16 : i32
          %parallel_loop3A_597 = arith.muli %parallel_loop3A_594, %parallel_loop3A_596 : i32
          %parallel_loop3A_598 = arith.index_cast %parallel_loop3A_597 : i32 to index
          %parallel_loop3A_599 = tpu.vector_load %arg8[%parallel_loop3A_598] {strides = array<i32>} : memref<2048xf32, #tpu.memory_space<vmem>>, vector<16xf32>,
          %parallel_loop3A_600 = vector.broadcast %reduce_max3A_577 : f32 to vector<16xf32>
          %parallel_loop3A_601 = arith.cmpf ole, %parallel_loop3A_599, %parallel_loop3A_600 : vector<16xf32>
          %parallel_loop3A_602 = arith.constant 16 : i32
          %parallel_loop3A_603 = arith.muli %parallel_loop3A_594, %parallel_loop3A_602 : i32
          %parallel_loop3A_604 = vector.broadcast %parallel_loop3A_603 : i32 to vector<16xi32>
          %parallel_loop3A_605 = arith.addi %parallel_loop3A_604, %iota3A : vector<16xi32>
          %parallel_loop3A_606 = vector.broadcast %reduce_max3A_43 : i32 to vector<16xi32>
          %parallel_loop3A_607 = arith.cmpi slt, %parallel_loop3A_605, %parallel_loop3A_606 : vector<16xi32>
          %parallel_loop3A_608 = arith.andi %parallel_loop3A_601, %parallel_loop3A_607 : vector<16xi1>
          %parallel_loop3A_609 = arith.extui %parallel_loop3A_608 : vector<16xi1> to vector<16xi32>
          %parallel_loop3A_610 = arith.addi %parallel_loop3A_595, %parallel_loop3A_609 : vector<16xi32>
          scf.yield %parallel_loop3A_610 : vector<16xi32>
        } {sc.loop_unroll_factor = 8 : i64, sc.parallel_access}
        %reduce_sum3A = arith.constant true
        %reduce_sum3A_583 = vector.broadcast %reduce_sum3A : i1 to vector<16xi1>
        %reduce_sum3A_584 = tpu.scan <sum>, %parallel_loop3A_582 masked %reduce_sum3A_583 : vector<16xi32>, vector<16xi1> -> vector<16xi32>
        %reduce_sum3A_585 = vector.extract %reduce_sum3A_584[15] : i32 from vector<16xi32>
        %ge3A = arith.constant 64 : i32
        %ge3A_586 = arith.cmpi sge, %reduce_sum3A_585, %ge3A : i32
        %select_n3A_587 = arith.select %ge3A_586, %add3A_568, %while3A_562 : i32
        %add3A_588 = arith.constant 1 : i32
        %add3A_589 = arith.addi %add3A_568, %add3A_588 : i32
        %select_n3A_590 = arith.select %ge3A_586, %while3A_561, %add3A_589 : i32
        %select_n3A_591 = arith.select %ge3A_586, %reduce_sum3A_585, %while3A_563 : i32
        %add3A_592 = arith.constant 1 : i32
        %add3A_593 = arith.addi %while3A_564, %add3A_592 : i32
        scf.yield %select_n3A_590, %select_n3A_587, %select_n3A_591, %add3A_593 : i32, i32, i32, i32
      }
      %broadcast_in_dim3A_50 = arith.constant 0 : i32
      %broadcast_in_dim3A_51 = vector.broadcast %broadcast_in_dim3A_50 : i32 to vector<16xi32>
      %add3A_52 = vector.broadcast %while3A_49#1 : i32 to vector<16xi32>
      %add3A_53 = arith.addi %add3A_52, %broadcast_in_dim3A_51 : vector<16xi32>
      %bitcast3A = vector.bitcast %add3A_53 : vector<16xi32> to vector<16xf32>
      %reduce_max3A_54 = arith.constant true
      %reduce_max3A_55 = vector.broadcast %reduce_max3A_54 : i1 to vector<16xi1>
      %reduce_max3A_56 = tpu.scan <max>, %bitcast3A masked %reduce_max3A_55 : vector<16xf32>, vector<16xi1> -> vector<16xf32>
      %reduce_max3A_57 = vector.extract %reduce_max3A_56[15] : f32 from vector<16xf32>
      %broadcast_in_dim3A_58 = arith.constant 0 : i32
      %broadcast_in_dim3A_59 = vector.broadcast %broadcast_in_dim3A_58 : i32 to vector<16xi32>
      %parallel_loop3A_60 = arith.constant 0 : i32
      %parallel_loop3A_61 = arith.constant 1 : i32
      %parallel_loop3A_62 = scf.for %parallel_loop3A_561 = %parallel_loop3A_60 to %shift_right_arithmetic3A_46 step %parallel_loop3A_61 iter_args(%parallel_loop3A_562 = %broadcast_in_dim3A_59) -> (vector<16xi32>)  : i32 {
        %parallel_loop3A_563 = arith.constant 16 : i32
        %parallel_loop3A_564 = arith.muli %parallel_loop3A_561, %parallel_loop3A_563 : i32
        %parallel_loop3A_565 = arith.index_cast %parallel_loop3A_564 : i32 to index
        %parallel_loop3A_566 = tpu.vector_load %arg8[%parallel_loop3A_565] {strides = array<i32>} : memref<2048xf32, #tpu.memory_space<vmem>>, vector<16xf32>,
        %parallel_loop3A_567 = arith.constant 16 : i32
        %parallel_loop3A_568 = arith.muli %parallel_loop3A_561, %parallel_loop3A_567 : i32
        %parallel_loop3A_569 = arith.index_cast %parallel_loop3A_568 : i32 to index
        %parallel_loop3A_570 = tpu.vector_load %arg9[%parallel_loop3A_569] {strides = array<i32>} : memref<2048xi32, #tpu.memory_space<vmem>>, vector<16xi32>,
        %parallel_loop3A_571 = vector.broadcast %reduce_max3A_57 : f32 to vector<16xf32>
        %parallel_loop3A_572 = arith.cmpf ole, %parallel_loop3A_566, %parallel_loop3A_571 : vector<16xf32>
        %parallel_loop3A_573 = arith.constant 16 : i32
        %parallel_loop3A_574 = arith.muli %parallel_loop3A_561, %parallel_loop3A_573 : i32
        %parallel_loop3A_575 = vector.broadcast %parallel_loop3A_574 : i32 to vector<16xi32>
        %parallel_loop3A_576 = arith.addi %parallel_loop3A_575, %iota3A : vector<16xi32>
        %parallel_loop3A_577 = vector.broadcast %reduce_max3A_43 : i32 to vector<16xi32>
        %parallel_loop3A_578 = arith.cmpi slt, %parallel_loop3A_576, %parallel_loop3A_577 : vector<16xi32>
        %parallel_loop3A_579 = arith.andi %parallel_loop3A_572, %parallel_loop3A_578 : vector<16xi1>
        %parallel_loop3A_580 = arith.extui %parallel_loop3A_579 : vector<16xi1> to vector<16xi32>
        %parallel_loop3A_581 = arith.constant true
        %parallel_loop3A_582 = vector.broadcast %parallel_loop3A_581 : i1 to vector<16xi1>
        %parallel_loop3A_583 = tpu.scan <sum>, %parallel_loop3A_580 masked %parallel_loop3A_582 : vector<16xi32>, vector<16xi1> -> vector<16xi32>
        %parallel_loop3A_584 = arith.addi %parallel_loop3A_562, %parallel_loop3A_583 : vector<16xi32>
        %parallel_loop3A_585 = arith.constant 1 : i32
        %parallel_loop3A_586 = vector.broadcast %parallel_loop3A_585 : i32 to vector<16xi32>
        %parallel_loop3A_587 = arith.subi %parallel_loop3A_584, %parallel_loop3A_586 : vector<16xi32>
        %parallel_loop3A_588 = arith.constant 127 : i32
        %parallel_loop3A_589 = vector.broadcast %parallel_loop3A_588 : i32 to vector<16xi32>
        %parallel_loop3A_590 = arith.minsi %parallel_loop3A_587, %parallel_loop3A_589 : vector<16xi32>
        tpu.vector_store_idx %arg10[%parallel_loop3A_590], %parallel_loop3A_570 masked %parallel_loop3A_579 : memref<128xi32, #tpu.memory_space<vmem>>[vector<16xi32>], vector<16xi32>, vector<16xi1>
        %parallel_loop3A_591 = tpu.all_reduce %parallel_loop3A_579 {dim = 0 : i64, kind = #tpu.reduction_kind<sum>} : vector<16xi1> -> vector<16xi32>
        %parallel_loop3A_592 = arith.addi %parallel_loop3A_562, %parallel_loop3A_591 : vector<16xi32>
        scf.yield %parallel_loop3A_592 : vector<16xi32>
      } {sc.loop_unroll_factor = 8 : i64, sc.parallel_access}
      %reduce_max3A_63 = arith.constant true
      %reduce_max3A_64 = vector.broadcast %reduce_max3A_63 : i1 to vector<16xi1>
      %reduce_max3A_65 = arith.constant -2147483648 : i32
      %reduce_max3A_66 = vector.broadcast %reduce_max3A_65 : i32 to vector<16xi32>
      %reduce_max3A_67 = arith.xori %parallel_loop3A_62, %reduce_max3A_66 : vector<16xi32>
      %reduce_max3A_68 = tpu.scan <max>, %reduce_max3A_67 masked %reduce_max3A_64 : vector<16xi32>, vector<16xi1> -> vector<16xi32>
      %reduce_max3A_69 = arith.xori %reduce_max3A_68, %reduce_max3A_66 : vector<16xi32>
      %reduce_max3A_70 = vector.extract %reduce_max3A_69[15] : i32 from vector<16xi32>
      %min3A = arith.constant 128 : i32
      %min3A_71 = arith.minsi %reduce_max3A_70, %min3A : i32
      %add3A_72 = arith.constant 0 : i32
      %add3A_73 = vector.broadcast %add3A_72 : i32 to vector<16xi32>
      %add3A_74 = arith.addi %add3A_73, %iota3A : vector<16xi32>
      %lt3A = vector.broadcast %min3A_71 : i32 to vector<16xi32>
      %lt3A_75 = arith.cmpi slt, %add3A_74, %lt3A : vector<16xi32>
      %get3A = arith.constant 0 : index
      %get3A_76 = tpu.vector_load %arg10[%get3A] {strides = array<i32>} : memref<128xi32, #tpu.memory_space<vmem>>, vector<16xi32>,
      %broadcast_in_dim3A_77 = vector.broadcast %add3A_24 : i32 to vector<16xi32>
      %select_n3A = arith.select %lt3A_75, %get3A_76, %broadcast_in_dim3A_77 : vector<16xi1>, vector<16xi32>
      %gather3A_78 = tpu.vector_load_idx %arg4[%select_n3A] : memref<2048xf32, #tpu.memory_space<vmem>>[vector<16xi32>], vector<16xf32>,
      %gather3A_79 = tpu.vector_load_idx %arg5[%select_n3A] : memref<2048xf32, #tpu.memory_space<vmem>>[vector<16xi32>], vector<16xf32>,
      %gather3A_80 = tpu.vector_load_idx %arg6[%select_n3A] : memref<2048xf32, #tpu.memory_space<vmem>>[vector<16xi32>], vector<16xf32>,
      %gather3A_81 = tpu.vector_load_idx %arg7[%select_n3A] : memref<2048xf32, #tpu.memory_space<vmem>>[vector<16xi32>], vector<16xf32>,
      %sub3A = arith.subf %gather3A, %gather3A_78 : vector<16xf32>
      %jit3A = arith.constant 1.000000e+09 : f32
      %broadcast_in_dim3A_82 = vector.broadcast %jit3A : f32 to vector<16xf32>
      %select_n3A_83 = arith.select %lt3A_75, %sub3A, %broadcast_in_dim3A_82 : vector<16xi1>, vector<16xf32>
      %swap3A = arith.constant 0 : i32
      %swap3A_84 = arith.index_cast %swap3A : i32 to index
      %swap3A_85 = arith.index_cast %scan3A_22 : i32 to index
      %swap3A_86 = arith.constant 0 : index
      %swap3A_87 = tpu.vector_load %arg11[%swap3A_84, %swap3A_85, %swap3A_86] {strides = array<i32>} : memref<5x64x128xf32, #tpu.memory_space<vmem>>, vector<16xf32>,
      tpu.vector_store %arg11[%swap3A_84, %swap3A_85, %swap3A_86], %select_n3A_83 {strides = array<i32>} : memref<5x64x128xf32, #tpu.memory_space<vmem>>, vector<16xf32>,
      %sub3A_88 = arith.subf %gather3A_28, %gather3A_79 : vector<16xf32>
      %jit3A_89 = arith.constant 1.000000e+09 : f32
      %broadcast_in_dim3A_90 = vector.broadcast %jit3A_89 : f32 to vector<16xf32>
      %select_n3A_91 = arith.select %lt3A_75, %sub3A_88, %broadcast_in_dim3A_90 : vector<16xi1>, vector<16xf32>
      %swap3A_92 = arith.constant 1 : i32
      %swap3A_93 = arith.index_cast %swap3A_92 : i32 to index
      %swap3A_94 = arith.index_cast %scan3A_22 : i32 to index
      %swap3A_95 = arith.constant 0 : index
      %swap3A_96 = tpu.vector_load %arg11[%swap3A_93, %swap3A_94, %swap3A_95] {strides = array<i32>} : memref<5x64x128xf32, #tpu.memory_space<vmem>>, vector<16xf32>,
      tpu.vector_store %arg11[%swap3A_93, %swap3A_94, %swap3A_95], %select_n3A_91 {strides = array<i32>} : memref<5x64x128xf32, #tpu.memory_space<vmem>>, vector<16xf32>,
      %sub3A_97 = arith.subf %gather3A_29, %gather3A_80 : vector<16xf32>
      %jit3A_98 = arith.constant 0.000000e+00 : f32
      %broadcast_in_dim3A_99 = vector.broadcast %jit3A_98 : f32 to vector<16xf32>
      %select_n3A_100 = arith.select %lt3A_75, %sub3A_97, %broadcast_in_dim3A_99 : vector<16xi1>, vector<16xf32>
      %swap3A_101 = arith.constant 2 : i32
      %swap3A_102 = arith.index_cast %swap3A_101 : i32 to index
      %swap3A_103 = arith.index_cast %scan3A_22 : i32 to index
      %swap3A_104 = arith.constant 0 : index
      %swap3A_105 = tpu.vector_load %arg11[%swap3A_102, %swap3A_103, %swap3A_104] {strides = array<i32>} : memref<5x64x128xf32, #tpu.memory_space<vmem>>, vector<16xf32>,
      tpu.vector_store %arg11[%swap3A_102, %swap3A_103, %swap3A_104], %select_n3A_100 {strides = array<i32>} : memref<5x64x128xf32, #tpu.memory_space<vmem>>, vector<16xf32>,
      %sub3A_106 = arith.subf %gather3A_30, %gather3A_81 : vector<16xf32>
      %jit3A_107 = arith.constant 0.000000e+00 : f32
      %broadcast_in_dim3A_108 = vector.broadcast %jit3A_107 : f32 to vector<16xf32>
      %select_n3A_109 = arith.select %lt3A_75, %sub3A_106, %broadcast_in_dim3A_108 : vector<16xi1>, vector<16xf32>
      %swap3A_110 = arith.constant 3 : i32
      %swap3A_111 = arith.index_cast %swap3A_110 : i32 to index
      %swap3A_112 = arith.index_cast %scan3A_22 : i32 to index
      %swap3A_113 = arith.constant 0 : index
      %swap3A_114 = tpu.vector_load %arg11[%swap3A_111, %swap3A_112, %swap3A_113] {strides = array<i32>} : memref<5x64x128xf32, #tpu.memory_space<vmem>>, vector<16xf32>,
      tpu.vector_store %arg11[%swap3A_111, %swap3A_112, %swap3A_113], %select_n3A_109 {strides = array<i32>} : memref<5x64x128xf32, #tpu.memory_space<vmem>>, vector<16xf32>,
      %eq3A = vector.broadcast %add3A_24 : i32 to vector<16xi32>
      %eq3A_115 = arith.cmpi eq, %select_n3A, %eq3A : vector<16xi32>
      %and3A = arith.andi %lt3A_75, %eq3A_115 : vector<16xi1>
      %jit3A_116 = arith.constant 1.000000e+00 : f32
      %jit3A_117 = arith.constant 0.000000e+00 : f32
      %broadcast_in_dim3A_118 = vector.broadcast %jit3A_116 : f32 to vector<16xf32>
      %broadcast_in_dim3A_119 = vector.broadcast %jit3A_117 : f32 to vector<16xf32>
      %select_n3A_120 = arith.select %and3A, %broadcast_in_dim3A_118, %broadcast_in_dim3A_119 : vector<16xi1>, vector<16xf32>
      %swap3A_121 = arith.constant 4 : i32
      %swap3A_122 = arith.index_cast %swap3A_121 : i32 to index
      %swap3A_123 = arith.index_cast %scan3A_22 : i32 to index
      %swap3A_124 = arith.constant 0 : index
      %swap3A_125 = tpu.vector_load %arg11[%swap3A_122, %swap3A_123, %swap3A_124] {strides = array<i32>} : memref<5x64x128xf32, #tpu.memory_space<vmem>>, vector<16xf32>,
      tpu.vector_store %arg11[%swap3A_122, %swap3A_123, %swap3A_124], %select_n3A_120 {strides = array<i32>} : memref<5x64x128xf32, #tpu.memory_space<vmem>>, vector<16xf32>,
      %add3A_126 = arith.constant 16 : i32
      %add3A_127 = vector.broadcast %add3A_126 : i32 to vector<16xi32>
      %add3A_128 = arith.addi %add3A_127, %iota3A : vector<16xi32>
      %lt3A_129 = vector.broadcast %min3A_71 : i32 to vector<16xi32>
      %lt3A_130 = arith.cmpi slt, %add3A_128, %lt3A_129 : vector<16xi32>
      %get3A_131 = arith.constant 16 : index
      %get3A_132 = tpu.vector_load %arg10[%get3A_131] {strides = array<i32>} : memref<128xi32, #tpu.memory_space<vmem>>, vector<16xi32>,
      %broadcast_in_dim3A_133 = vector.broadcast %add3A_24 : i32 to vector<16xi32>
      %select_n3A_134 = arith.select %lt3A_130, %get3A_132, %broadcast_in_dim3A_133 : vector<16xi1>, vector<16xi32>
      %gather3A_135 = tpu.vector_load_idx %arg4[%select_n3A_134] : memref<2048xf32, #tpu.memory_space<vmem>>[vector<16xi32>], vector<16xf32>,
      %gather3A_136 = tpu.vector_load_idx %arg5[%select_n3A_134] : memref<2048xf32, #tpu.memory_space<vmem>>[vector<16xi32>], vector<16xf32>,
      %gather3A_137 = tpu.vector_load_idx %arg6[%select_n3A_134] : memref<2048xf32, #tpu.memory_space<vmem>>[vector<16xi32>], vector<16xf32>,
      %gather3A_138 = tpu.vector_load_idx %arg7[%select_n3A_134] : memref<2048xf32, #tpu.memory_space<vmem>>[vector<16xi32>], vector<16xf32>,
      %sub3A_139 = arith.subf %gather3A, %gather3A_135 : vector<16xf32>
      %jit3A_140 = arith.constant 1.000000e+09 : f32
      %broadcast_in_dim3A_141 = vector.broadcast %jit3A_140 : f32 to vector<16xf32>
      %select_n3A_142 = arith.select %lt3A_130, %sub3A_139, %broadcast_in_dim3A_141 : vector<16xi1>, vector<16xf32>
      %swap3A_143 = arith.constant 0 : i32
      %swap3A_144 = arith.index_cast %swap3A_143 : i32 to index
      %swap3A_145 = arith.index_cast %scan3A_22 : i32 to index
      %swap3A_146 = arith.constant 16 : index
      %swap3A_147 = tpu.vector_load %arg11[%swap3A_144, %swap3A_145, %swap3A_146] {strides = array<i32>} : memref<5x64x128xf32, #tpu.memory_space<vmem>>, vector<16xf32>,
      tpu.vector_store %arg11[%swap3A_144, %swap3A_145, %swap3A_146], %select_n3A_142 {strides = array<i32>} : memref<5x64x128xf32, #tpu.memory_space<vmem>>, vector<16xf32>,
      %sub3A_148 = arith.subf %gather3A_28, %gather3A_136 : vector<16xf32>
      %jit3A_149 = arith.constant 1.000000e+09 : f32
      %broadcast_in_dim3A_150 = vector.broadcast %jit3A_149 : f32 to vector<16xf32>
      %select_n3A_151 = arith.select %lt3A_130, %sub3A_148, %broadcast_in_dim3A_150 : vector<16xi1>, vector<16xf32>
      %swap3A_152 = arith.constant 1 : i32
      %swap3A_153 = arith.index_cast %swap3A_152 : i32 to index
      %swap3A_154 = arith.index_cast %scan3A_22 : i32 to index
      %swap3A_155 = arith.constant 16 : index
      %swap3A_156 = tpu.vector_load %arg11[%swap3A_153, %swap3A_154, %swap3A_155] {strides = array<i32>} : memref<5x64x128xf32, #tpu.memory_space<vmem>>, vector<16xf32>,
      tpu.vector_store %arg11[%swap3A_153, %swap3A_154, %swap3A_155], %select_n3A_151 {strides = array<i32>} : memref<5x64x128xf32, #tpu.memory_space<vmem>>, vector<16xf32>,
      %sub3A_157 = arith.subf %gather3A_29, %gather3A_137 : vector<16xf32>
      %jit3A_158 = arith.constant 0.000000e+00 : f32
      %broadcast_in_dim3A_159 = vector.broadcast %jit3A_158 : f32 to vector<16xf32>
      %select_n3A_160 = arith.select %lt3A_130, %sub3A_157, %broadcast_in_dim3A_159 : vector<16xi1>, vector<16xf32>
      %swap3A_161 = arith.constant 2 : i32
      %swap3A_162 = arith.index_cast %swap3A_161 : i32 to index
      %swap3A_163 = arith.index_cast %scan3A_22 : i32 to index
      %swap3A_164 = arith.constant 16 : index
      %swap3A_165 = tpu.vector_load %arg11[%swap3A_162, %swap3A_163, %swap3A_164] {strides = array<i32>} : memref<5x64x128xf32, #tpu.memory_space<vmem>>, vector<16xf32>,
      tpu.vector_store %arg11[%swap3A_162, %swap3A_163, %swap3A_164], %select_n3A_160 {strides = array<i32>} : memref<5x64x128xf32, #tpu.memory_space<vmem>>, vector<16xf32>,
      %sub3A_166 = arith.subf %gather3A_30, %gather3A_138 : vector<16xf32>
      %jit3A_167 = arith.constant 0.000000e+00 : f32
      %broadcast_in_dim3A_168 = vector.broadcast %jit3A_167 : f32 to vector<16xf32>
      %select_n3A_169 = arith.select %lt3A_130, %sub3A_166, %broadcast_in_dim3A_168 : vector<16xi1>, vector<16xf32>
      %swap3A_170 = arith.constant 3 : i32
      %swap3A_171 = arith.index_cast %swap3A_170 : i32 to index
      %swap3A_172 = arith.index_cast %scan3A_22 : i32 to index
      %swap3A_173 = arith.constant 16 : index
      %swap3A_174 = tpu.vector_load %arg11[%swap3A_171, %swap3A_172, %swap3A_173] {strides = array<i32>} : memref<5x64x128xf32, #tpu.memory_space<vmem>>, vector<16xf32>,
      tpu.vector_store %arg11[%swap3A_171, %swap3A_172, %swap3A_173], %select_n3A_169 {strides = array<i32>} : memref<5x64x128xf32, #tpu.memory_space<vmem>>, vector<16xf32>,
      %eq3A_175 = vector.broadcast %add3A_24 : i32 to vector<16xi32>
      %eq3A_176 = arith.cmpi eq, %select_n3A_134, %eq3A_175 : vector<16xi32>
      %and3A_177 = arith.andi %lt3A_130, %eq3A_176 : vector<16xi1>
      %jit3A_178 = arith.constant 1.000000e+00 : f32
      %jit3A_179 = arith.constant 0.000000e+00 : f32
      %broadcast_in_dim3A_180 = vector.broadcast %jit3A_178 : f32 to vector<16xf32>
      %broadcast_in_dim3A_181 = vector.broadcast %jit3A_179 : f32 to vector<16xf32>
      %select_n3A_182 = arith.select %and3A_177, %broadcast_in_dim3A_180, %broadcast_in_dim3A_181 : vector<16xi1>, vector<16xf32>
      %swap3A_183 = arith.constant 4 : i32
      %swap3A_184 = arith.index_cast %swap3A_183 : i32 to index
      %swap3A_185 = arith.index_cast %scan3A_22 : i32 to index
      %swap3A_186 = arith.constant 16 : index
      %swap3A_187 = tpu.vector_load %arg11[%swap3A_184, %swap3A_185, %swap3A_186] {strides = array<i32>} : memref<5x64x128xf32, #tpu.memory_space<vmem>>, vector<16xf32>,
      tpu.vector_store %arg11[%swap3A_184, %swap3A_185, %swap3A_186], %select_n3A_182 {strides = array<i32>} : memref<5x64x128xf32, #tpu.memory_space<vmem>>, vector<16xf32>,
      %add3A_188 = arith.constant 32 : i32
      %add3A_189 = vector.broadcast %add3A_188 : i32 to vector<16xi32>
      %add3A_190 = arith.addi %add3A_189, %iota3A : vector<16xi32>
      %lt3A_191 = vector.broadcast %min3A_71 : i32 to vector<16xi32>
      %lt3A_192 = arith.cmpi slt, %add3A_190, %lt3A_191 : vector<16xi32>
      %get3A_193 = arith.constant 32 : index
      %get3A_194 = tpu.vector_load %arg10[%get3A_193] {strides = array<i32>} : memref<128xi32, #tpu.memory_space<vmem>>, vector<16xi32>,
      %broadcast_in_dim3A_195 = vector.broadcast %add3A_24 : i32 to vector<16xi32>
      %select_n3A_196 = arith.select %lt3A_192, %get3A_194, %broadcast_in_dim3A_195 : vector<16xi1>, vector<16xi32>
      %gather3A_197 = tpu.vector_load_idx %arg4[%select_n3A_196] : memref<2048xf32, #tpu.memory_space<vmem>>[vector<16xi32>], vector<16xf32>,
      %gather3A_198 = tpu.vector_load_idx %arg5[%select_n3A_196] : memref<2048xf32, #tpu.memory_space<vmem>>[vector<16xi32>], vector<16xf32>,
      %gather3A_199 = tpu.vector_load_idx %arg6[%select_n3A_196] : memref<2048xf32, #tpu.memory_space<vmem>>[vector<16xi32>], vector<16xf32>,
      %gather3A_200 = tpu.vector_load_idx %arg7[%select_n3A_196] : memref<2048xf32, #tpu.memory_space<vmem>>[vector<16xi32>], vector<16xf32>,
      %sub3A_201 = arith.subf %gather3A, %gather3A_197 : vector<16xf32>
      %jit3A_202 = arith.constant 1.000000e+09 : f32
      %broadcast_in_dim3A_203 = vector.broadcast %jit3A_202 : f32 to vector<16xf32>
      %select_n3A_204 = arith.select %lt3A_192, %sub3A_201, %broadcast_in_dim3A_203 : vector<16xi1>, vector<16xf32>
      %swap3A_205 = arith.constant 0 : i32
      %swap3A_206 = arith.index_cast %swap3A_205 : i32 to index
      %swap3A_207 = arith.index_cast %scan3A_22 : i32 to index
      %swap3A_208 = arith.constant 32 : index
      %swap3A_209 = tpu.vector_load %arg11[%swap3A_206, %swap3A_207, %swap3A_208] {strides = array<i32>} : memref<5x64x128xf32, #tpu.memory_space<vmem>>, vector<16xf32>,
      tpu.vector_store %arg11[%swap3A_206, %swap3A_207, %swap3A_208], %select_n3A_204 {strides = array<i32>} : memref<5x64x128xf32, #tpu.memory_space<vmem>>, vector<16xf32>,
      %sub3A_210 = arith.subf %gather3A_28, %gather3A_198 : vector<16xf32>
      %jit3A_211 = arith.constant 1.000000e+09 : f32
      %broadcast_in_dim3A_212 = vector.broadcast %jit3A_211 : f32 to vector<16xf32>
      %select_n3A_213 = arith.select %lt3A_192, %sub3A_210, %broadcast_in_dim3A_212 : vector<16xi1>, vector<16xf32>
      %swap3A_214 = arith.constant 1 : i32
      %swap3A_215 = arith.index_cast %swap3A_214 : i32 to index
      %swap3A_216 = arith.index_cast %scan3A_22 : i32 to index
      %swap3A_217 = arith.constant 32 : index
      %swap3A_218 = tpu.vector_load %arg11[%swap3A_215, %swap3A_216, %swap3A_217] {strides = array<i32>} : memref<5x64x128xf32, #tpu.memory_space<vmem>>, vector<16xf32>,
      tpu.vector_store %arg11[%swap3A_215, %swap3A_216, %swap3A_217], %select_n3A_213 {strides = array<i32>} : memref<5x64x128xf32, #tpu.memory_space<vmem>>, vector<16xf32>,
      %sub3A_219 = arith.subf %gather3A_29, %gather3A_199 : vector<16xf32>
      %jit3A_220 = arith.constant 0.000000e+00 : f32
      %broadcast_in_dim3A_221 = vector.broadcast %jit3A_220 : f32 to vector<16xf32>
      %select_n3A_222 = arith.select %lt3A_192, %sub3A_219, %broadcast_in_dim3A_221 : vector<16xi1>, vector<16xf32>
      %swap3A_223 = arith.constant 2 : i32
      %swap3A_224 = arith.index_cast %swap3A_223 : i32 to index
      %swap3A_225 = arith.index_cast %scan3A_22 : i32 to index
      %swap3A_226 = arith.constant 32 : index
      %swap3A_227 = tpu.vector_load %arg11[%swap3A_224, %swap3A_225, %swap3A_226] {strides = array<i32>} : memref<5x64x128xf32, #tpu.memory_space<vmem>>, vector<16xf32>,
      tpu.vector_store %arg11[%swap3A_224, %swap3A_225, %swap3A_226], %select_n3A_222 {strides = array<i32>} : memref<5x64x128xf32, #tpu.memory_space<vmem>>, vector<16xf32>,
      %sub3A_228 = arith.subf %gather3A_30, %gather3A_200 : vector<16xf32>
      %jit3A_229 = arith.constant 0.000000e+00 : f32
      %broadcast_in_dim3A_230 = vector.broadcast %jit3A_229 : f32 to vector<16xf32>
      %select_n3A_231 = arith.select %lt3A_192, %sub3A_228, %broadcast_in_dim3A_230 : vector<16xi1>, vector<16xf32>
      %swap3A_232 = arith.constant 3 : i32
      %swap3A_233 = arith.index_cast %swap3A_232 : i32 to index
      %swap3A_234 = arith.index_cast %scan3A_22 : i32 to index
      %swap3A_235 = arith.constant 32 : index
      %swap3A_236 = tpu.vector_load %arg11[%swap3A_233, %swap3A_234, %swap3A_235] {strides = array<i32>} : memref<5x64x128xf32, #tpu.memory_space<vmem>>, vector<16xf32>,
      tpu.vector_store %arg11[%swap3A_233, %swap3A_234, %swap3A_235], %select_n3A_231 {strides = array<i32>} : memref<5x64x128xf32, #tpu.memory_space<vmem>>, vector<16xf32>,
      %eq3A_237 = vector.broadcast %add3A_24 : i32 to vector<16xi32>
      %eq3A_238 = arith.cmpi eq, %select_n3A_196, %eq3A_237 : vector<16xi32>
      %and3A_239 = arith.andi %lt3A_192, %eq3A_238 : vector<16xi1>
      %jit3A_240 = arith.constant 1.000000e+00 : f32
      %jit3A_241 = arith.constant 0.000000e+00 : f32
      %broadcast_in_dim3A_242 = vector.broadcast %jit3A_240 : f32 to vector<16xf32>
      %broadcast_in_dim3A_243 = vector.broadcast %jit3A_241 : f32 to vector<16xf32>
      %select_n3A_244 = arith.select %and3A_239, %broadcast_in_dim3A_242, %broadcast_in_dim3A_243 : vector<16xi1>, vector<16xf32>
      %swap3A_245 = arith.constant 4 : i32
      %swap3A_246 = arith.index_cast %swap3A_245 : i32 to index
      %swap3A_247 = arith.index_cast %scan3A_22 : i32 to index
      %swap3A_248 = arith.constant 32 : index
      %swap3A_249 = tpu.vector_load %arg11[%swap3A_246, %swap3A_247, %swap3A_248] {strides = array<i32>} : memref<5x64x128xf32, #tpu.memory_space<vmem>>, vector<16xf32>,
      tpu.vector_store %arg11[%swap3A_246, %swap3A_247, %swap3A_248], %select_n3A_244 {strides = array<i32>} : memref<5x64x128xf32, #tpu.memory_space<vmem>>, vector<16xf32>,
      %add3A_250 = arith.constant 48 : i32
      %add3A_251 = vector.broadcast %add3A_250 : i32 to vector<16xi32>
      %add3A_252 = arith.addi %add3A_251, %iota3A : vector<16xi32>
      %lt3A_253 = vector.broadcast %min3A_71 : i32 to vector<16xi32>
      %lt3A_254 = arith.cmpi slt, %add3A_252, %lt3A_253 : vector<16xi32>
      %get3A_255 = arith.constant 48 : index
      %get3A_256 = tpu.vector_load %arg10[%get3A_255] {strides = array<i32>} : memref<128xi32, #tpu.memory_space<vmem>>, vector<16xi32>,
      %broadcast_in_dim3A_257 = vector.broadcast %add3A_24 : i32 to vector<16xi32>
      %select_n3A_258 = arith.select %lt3A_254, %get3A_256, %broadcast_in_dim3A_257 : vector<16xi1>, vector<16xi32>
      %gather3A_259 = tpu.vector_load_idx %arg4[%select_n3A_258] : memref<2048xf32, #tpu.memory_space<vmem>>[vector<16xi32>], vector<16xf32>,
      %gather3A_260 = tpu.vector_load_idx %arg5[%select_n3A_258] : memref<2048xf32, #tpu.memory_space<vmem>>[vector<16xi32>], vector<16xf32>,
      %gather3A_261 = tpu.vector_load_idx %arg6[%select_n3A_258] : memref<2048xf32, #tpu.memory_space<vmem>>[vector<16xi32>], vector<16xf32>,
      %gather3A_262 = tpu.vector_load_idx %arg7[%select_n3A_258] : memref<2048xf32, #tpu.memory_space<vmem>>[vector<16xi32>], vector<16xf32>,
      %sub3A_263 = arith.subf %gather3A, %gather3A_259 : vector<16xf32>
      %jit3A_264 = arith.constant 1.000000e+09 : f32
      %broadcast_in_dim3A_265 = vector.broadcast %jit3A_264 : f32 to vector<16xf32>
      %select_n3A_266 = arith.select %lt3A_254, %sub3A_263, %broadcast_in_dim3A_265 : vector<16xi1>, vector<16xf32>
      %swap3A_267 = arith.constant 0 : i32
      %swap3A_268 = arith.index_cast %swap3A_267 : i32 to index
      %swap3A_269 = arith.index_cast %scan3A_22 : i32 to index
      %swap3A_270 = arith.constant 48 : index
      %swap3A_271 = tpu.vector_load %arg11[%swap3A_268, %swap3A_269, %swap3A_270] {strides = array<i32>} : memref<5x64x128xf32, #tpu.memory_space<vmem>>, vector<16xf32>,
      tpu.vector_store %arg11[%swap3A_268, %swap3A_269, %swap3A_270], %select_n3A_266 {strides = array<i32>} : memref<5x64x128xf32, #tpu.memory_space<vmem>>, vector<16xf32>,
      %sub3A_272 = arith.subf %gather3A_28, %gather3A_260 : vector<16xf32>
      %jit3A_273 = arith.constant 1.000000e+09 : f32
      %broadcast_in_dim3A_274 = vector.broadcast %jit3A_273 : f32 to vector<16xf32>
      %select_n3A_275 = arith.select %lt3A_254, %sub3A_272, %broadcast_in_dim3A_274 : vector<16xi1>, vector<16xf32>
      %swap3A_276 = arith.constant 1 : i32
      %swap3A_277 = arith.index_cast %swap3A_276 : i32 to index
      %swap3A_278 = arith.index_cast %scan3A_22 : i32 to index
      %swap3A_279 = arith.constant 48 : index
      %swap3A_280 = tpu.vector_load %arg11[%swap3A_277, %swap3A_278, %swap3A_279] {strides = array<i32>} : memref<5x64x128xf32, #tpu.memory_space<vmem>>, vector<16xf32>,
      tpu.vector_store %arg11[%swap3A_277, %swap3A_278, %swap3A_279], %select_n3A_275 {strides = array<i32>} : memref<5x64x128xf32, #tpu.memory_space<vmem>>, vector<16xf32>,
      %sub3A_281 = arith.subf %gather3A_29, %gather3A_261 : vector<16xf32>
      %jit3A_282 = arith.constant 0.000000e+00 : f32
      %broadcast_in_dim3A_283 = vector.broadcast %jit3A_282 : f32 to vector<16xf32>
      %select_n3A_284 = arith.select %lt3A_254, %sub3A_281, %broadcast_in_dim3A_283 : vector<16xi1>, vector<16xf32>
      %swap3A_285 = arith.constant 2 : i32
      %swap3A_286 = arith.index_cast %swap3A_285 : i32 to index
      %swap3A_287 = arith.index_cast %scan3A_22 : i32 to index
      %swap3A_288 = arith.constant 48 : index
      %swap3A_289 = tpu.vector_load %arg11[%swap3A_286, %swap3A_287, %swap3A_288] {strides = array<i32>} : memref<5x64x128xf32, #tpu.memory_space<vmem>>, vector<16xf32>,
      tpu.vector_store %arg11[%swap3A_286, %swap3A_287, %swap3A_288], %select_n3A_284 {strides = array<i32>} : memref<5x64x128xf32, #tpu.memory_space<vmem>>, vector<16xf32>,
      %sub3A_290 = arith.subf %gather3A_30, %gather3A_262 : vector<16xf32>
      %jit3A_291 = arith.constant 0.000000e+00 : f32
      %broadcast_in_dim3A_292 = vector.broadcast %jit3A_291 : f32 to vector<16xf32>
      %select_n3A_293 = arith.select %lt3A_254, %sub3A_290, %broadcast_in_dim3A_292 : vector<16xi1>, vector<16xf32>
      %swap3A_294 = arith.constant 3 : i32
      %swap3A_295 = arith.index_cast %swap3A_294 : i32 to index
      %swap3A_296 = arith.index_cast %scan3A_22 : i32 to index
      %swap3A_297 = arith.constant 48 : index
      %swap3A_298 = tpu.vector_load %arg11[%swap3A_295, %swap3A_296, %swap3A_297] {strides = array<i32>} : memref<5x64x128xf32, #tpu.memory_space<vmem>>, vector<16xf32>,
      tpu.vector_store %arg11[%swap3A_295, %swap3A_296, %swap3A_297], %select_n3A_293 {strides = array<i32>} : memref<5x64x128xf32, #tpu.memory_space<vmem>>, vector<16xf32>,
      %eq3A_299 = vector.broadcast %add3A_24 : i32 to vector<16xi32>
      %eq3A_300 = arith.cmpi eq, %select_n3A_258, %eq3A_299 : vector<16xi32>
      %and3A_301 = arith.andi %lt3A_254, %eq3A_300 : vector<16xi1>
      %jit3A_302 = arith.constant 1.000000e+00 : f32
      %jit3A_303 = arith.constant 0.000000e+00 : f32
      %broadcast_in_dim3A_304 = vector.broadcast %jit3A_302 : f32 to vector<16xf32>
      %broadcast_in_dim3A_305 = vector.broadcast %jit3A_303 : f32 to vector<16xf32>
      %select_n3A_306 = arith.select %and3A_301, %broadcast_in_dim3A_304, %broadcast_in_dim3A_305 : vector<16xi1>, vector<16xf32>
      %swap3A_307 = arith.constant 4 : i32
      %swap3A_308 = arith.index_cast %swap3A_307 : i32 to index
      %swap3A_309 = arith.index_cast %scan3A_22 : i32 to index
      %swap3A_310 = arith.constant 48 : index
      %swap3A_311 = tpu.vector_load %arg11[%swap3A_308, %swap3A_309, %swap3A_310] {strides = array<i32>} : memref<5x64x128xf32, #tpu.memory_space<vmem>>, vector<16xf32>,
      tpu.vector_store %arg11[%swap3A_308, %swap3A_309, %swap3A_310], %select_n3A_306 {strides = array<i32>} : memref<5x64x128xf32, #tpu.memory_space<vmem>>, vector<16xf32>,
      %add3A_312 = arith.constant 64 : i32
      %add3A_313 = vector.broadcast %add3A_312 : i32 to vector<16xi32>
      %add3A_314 = arith.addi %add3A_313, %iota3A : vector<16xi32>
      %lt3A_315 = vector.broadcast %min3A_71 : i32 to vector<16xi32>
      %lt3A_316 = arith.cmpi slt, %add3A_314, %lt3A_315 : vector<16xi32>
      %get3A_317 = arith.constant 64 : index
      %get3A_318 = tpu.vector_load %arg10[%get3A_317] {strides = array<i32>} : memref<128xi32, #tpu.memory_space<vmem>>, vector<16xi32>,
      %broadcast_in_dim3A_319 = vector.broadcast %add3A_24 : i32 to vector<16xi32>
      %select_n3A_320 = arith.select %lt3A_316, %get3A_318, %broadcast_in_dim3A_319 : vector<16xi1>, vector<16xi32>
      %gather3A_321 = tpu.vector_load_idx %arg4[%select_n3A_320] : memref<2048xf32, #tpu.memory_space<vmem>>[vector<16xi32>], vector<16xf32>,
      %gather3A_322 = tpu.vector_load_idx %arg5[%select_n3A_320] : memref<2048xf32, #tpu.memory_space<vmem>>[vector<16xi32>], vector<16xf32>,
      %gather3A_323 = tpu.vector_load_idx %arg6[%select_n3A_320] : memref<2048xf32, #tpu.memory_space<vmem>>[vector<16xi32>], vector<16xf32>,
      %gather3A_324 = tpu.vector_load_idx %arg7[%select_n3A_320] : memref<2048xf32, #tpu.memory_space<vmem>>[vector<16xi32>], vector<16xf32>,
      %sub3A_325 = arith.subf %gather3A, %gather3A_321 : vector<16xf32>
      %jit3A_326 = arith.constant 1.000000e+09 : f32
      %broadcast_in_dim3A_327 = vector.broadcast %jit3A_326 : f32 to vector<16xf32>
      %select_n3A_328 = arith.select %lt3A_316, %sub3A_325, %broadcast_in_dim3A_327 : vector<16xi1>, vector<16xf32>
      %swap3A_329 = arith.constant 0 : i32
      %swap3A_330 = arith.index_cast %swap3A_329 : i32 to index
      %swap3A_331 = arith.index_cast %scan3A_22 : i32 to index
      %swap3A_332 = arith.constant 64 : index
      %swap3A_333 = tpu.vector_load %arg11[%swap3A_330, %swap3A_331, %swap3A_332] {strides = array<i32>} : memref<5x64x128xf32, #tpu.memory_space<vmem>>, vector<16xf32>,
      tpu.vector_store %arg11[%swap3A_330, %swap3A_331, %swap3A_332], %select_n3A_328 {strides = array<i32>} : memref<5x64x128xf32, #tpu.memory_space<vmem>>, vector<16xf32>,
      %sub3A_334 = arith.subf %gather3A_28, %gather3A_322 : vector<16xf32>
      %jit3A_335 = arith.constant 1.000000e+09 : f32
      %broadcast_in_dim3A_336 = vector.broadcast %jit3A_335 : f32 to vector<16xf32>
      %select_n3A_337 = arith.select %lt3A_316, %sub3A_334, %broadcast_in_dim3A_336 : vector<16xi1>, vector<16xf32>
      %swap3A_338 = arith.constant 1 : i32
      %swap3A_339 = arith.index_cast %swap3A_338 : i32 to index
      %swap3A_340 = arith.index_cast %scan3A_22 : i32 to index
      %swap3A_341 = arith.constant 64 : index
      %swap3A_342 = tpu.vector_load %arg11[%swap3A_339, %swap3A_340, %swap3A_341] {strides = array<i32>} : memref<5x64x128xf32, #tpu.memory_space<vmem>>, vector<16xf32>,
      tpu.vector_store %arg11[%swap3A_339, %swap3A_340, %swap3A_341], %select_n3A_337 {strides = array<i32>} : memref<5x64x128xf32, #tpu.memory_space<vmem>>, vector<16xf32>,
      %sub3A_343 = arith.subf %gather3A_29, %gather3A_323 : vector<16xf32>
      %jit3A_344 = arith.constant 0.000000e+00 : f32
      %broadcast_in_dim3A_345 = vector.broadcast %jit3A_344 : f32 to vector<16xf32>
      %select_n3A_346 = arith.select %lt3A_316, %sub3A_343, %broadcast_in_dim3A_345 : vector<16xi1>, vector<16xf32>
      %swap3A_347 = arith.constant 2 : i32
      %swap3A_348 = arith.index_cast %swap3A_347 : i32 to index
      %swap3A_349 = arith.index_cast %scan3A_22 : i32 to index
      %swap3A_350 = arith.constant 64 : index
      %swap3A_351 = tpu.vector_load %arg11[%swap3A_348, %swap3A_349, %swap3A_350] {strides = array<i32>} : memref<5x64x128xf32, #tpu.memory_space<vmem>>, vector<16xf32>,
      tpu.vector_store %arg11[%swap3A_348, %swap3A_349, %swap3A_350], %select_n3A_346 {strides = array<i32>} : memref<5x64x128xf32, #tpu.memory_space<vmem>>, vector<16xf32>,
      %sub3A_352 = arith.subf %gather3A_30, %gather3A_324 : vector<16xf32>
      %jit3A_353 = arith.constant 0.000000e+00 : f32
      %broadcast_in_dim3A_354 = vector.broadcast %jit3A_353 : f32 to vector<16xf32>
      %select_n3A_355 = arith.select %lt3A_316, %sub3A_352, %broadcast_in_dim3A_354 : vector<16xi1>, vector<16xf32>
      %swap3A_356 = arith.constant 3 : i32
      %swap3A_357 = arith.index_cast %swap3A_356 : i32 to index
      %swap3A_358 = arith.index_cast %scan3A_22 : i32 to index
      %swap3A_359 = arith.constant 64 : index
      %swap3A_360 = tpu.vector_load %arg11[%swap3A_357, %swap3A_358, %swap3A_359] {strides = array<i32>} : memref<5x64x128xf32, #tpu.memory_space<vmem>>, vector<16xf32>,
      tpu.vector_store %arg11[%swap3A_357, %swap3A_358, %swap3A_359], %select_n3A_355 {strides = array<i32>} : memref<5x64x128xf32, #tpu.memory_space<vmem>>, vector<16xf32>,
      %eq3A_361 = vector.broadcast %add3A_24 : i32 to vector<16xi32>
      %eq3A_362 = arith.cmpi eq, %select_n3A_320, %eq3A_361 : vector<16xi32>
      %and3A_363 = arith.andi %lt3A_316, %eq3A_362 : vector<16xi1>
      %jit3A_364 = arith.constant 1.000000e+00 : f32
      %jit3A_365 = arith.constant 0.000000e+00 : f32
      %broadcast_in_dim3A_366 = vector.broadcast %jit3A_364 : f32 to vector<16xf32>
      %broadcast_in_dim3A_367 = vector.broadcast %jit3A_365 : f32 to vector<16xf32>
      %select_n3A_368 = arith.select %and3A_363, %broadcast_in_dim3A_366, %broadcast_in_dim3A_367 : vector<16xi1>, vector<16xf32>
      %swap3A_369 = arith.constant 4 : i32
      %swap3A_370 = arith.index_cast %swap3A_369 : i32 to index
      %swap3A_371 = arith.index_cast %scan3A_22 : i32 to index
      %swap3A_372 = arith.constant 64 : index
      %swap3A_373 = tpu.vector_load %arg11[%swap3A_370, %swap3A_371, %swap3A_372] {strides = array<i32>} : memref<5x64x128xf32, #tpu.memory_space<vmem>>, vector<16xf32>,
      tpu.vector_store %arg11[%swap3A_370, %swap3A_371, %swap3A_372], %select_n3A_368 {strides = array<i32>} : memref<5x64x128xf32, #tpu.memory_space<vmem>>, vector<16xf32>,
      %add3A_374 = arith.constant 80 : i32
      %add3A_375 = vector.broadcast %add3A_374 : i32 to vector<16xi32>
      %add3A_376 = arith.addi %add3A_375, %iota3A : vector<16xi32>
      %lt3A_377 = vector.broadcast %min3A_71 : i32 to vector<16xi32>
      %lt3A_378 = arith.cmpi slt, %add3A_376, %lt3A_377 : vector<16xi32>
      %get3A_379 = arith.constant 80 : index
      %get3A_380 = tpu.vector_load %arg10[%get3A_379] {strides = array<i32>} : memref<128xi32, #tpu.memory_space<vmem>>, vector<16xi32>,
      %broadcast_in_dim3A_381 = vector.broadcast %add3A_24 : i32 to vector<16xi32>
      %select_n3A_382 = arith.select %lt3A_378, %get3A_380, %broadcast_in_dim3A_381 : vector<16xi1>, vector<16xi32>
      %gather3A_383 = tpu.vector_load_idx %arg4[%select_n3A_382] : memref<2048xf32, #tpu.memory_space<vmem>>[vector<16xi32>], vector<16xf32>,
      %gather3A_384 = tpu.vector_load_idx %arg5[%select_n3A_382] : memref<2048xf32, #tpu.memory_space<vmem>>[vector<16xi32>], vector<16xf32>,
      %gather3A_385 = tpu.vector_load_idx %arg6[%select_n3A_382] : memref<2048xf32, #tpu.memory_space<vmem>>[vector<16xi32>], vector<16xf32>,
      %gather3A_386 = tpu.vector_load_idx %arg7[%select_n3A_382] : memref<2048xf32, #tpu.memory_space<vmem>>[vector<16xi32>], vector<16xf32>,
      %sub3A_387 = arith.subf %gather3A, %gather3A_383 : vector<16xf32>
      %jit3A_388 = arith.constant 1.000000e+09 : f32
      %broadcast_in_dim3A_389 = vector.broadcast %jit3A_388 : f32 to vector<16xf32>
      %select_n3A_390 = arith.select %lt3A_378, %sub3A_387, %broadcast_in_dim3A_389 : vector<16xi1>, vector<16xf32>
      %swap3A_391 = arith.constant 0 : i32
      %swap3A_392 = arith.index_cast %swap3A_391 : i32 to index
      %swap3A_393 = arith.index_cast %scan3A_22 : i32 to index
      %swap3A_394 = arith.constant 80 : index
      %swap3A_395 = tpu.vector_load %arg11[%swap3A_392, %swap3A_393, %swap3A_394] {strides = array<i32>} : memref<5x64x128xf32, #tpu.memory_space<vmem>>, vector<16xf32>,
      tpu.vector_store %arg11[%swap3A_392, %swap3A_393, %swap3A_394], %select_n3A_390 {strides = array<i32>} : memref<5x64x128xf32, #tpu.memory_space<vmem>>, vector<16xf32>,
      %sub3A_396 = arith.subf %gather3A_28, %gather3A_384 : vector<16xf32>
      %jit3A_397 = arith.constant 1.000000e+09 : f32
      %broadcast_in_dim3A_398 = vector.broadcast %jit3A_397 : f32 to vector<16xf32>
      %select_n3A_399 = arith.select %lt3A_378, %sub3A_396, %broadcast_in_dim3A_398 : vector<16xi1>, vector<16xf32>
      %swap3A_400 = arith.constant 1 : i32
      %swap3A_401 = arith.index_cast %swap3A_400 : i32 to index
      %swap3A_402 = arith.index_cast %scan3A_22 : i32 to index
      %swap3A_403 = arith.constant 80 : index
      %swap3A_404 = tpu.vector_load %arg11[%swap3A_401, %swap3A_402, %swap3A_403] {strides = array<i32>} : memref<5x64x128xf32, #tpu.memory_space<vmem>>, vector<16xf32>,
      tpu.vector_store %arg11[%swap3A_401, %swap3A_402, %swap3A_403], %select_n3A_399 {strides = array<i32>} : memref<5x64x128xf32, #tpu.memory_space<vmem>>, vector<16xf32>,
      %sub3A_405 = arith.subf %gather3A_29, %gather3A_385 : vector<16xf32>
      %jit3A_406 = arith.constant 0.000000e+00 : f32
      %broadcast_in_dim3A_407 = vector.broadcast %jit3A_406 : f32 to vector<16xf32>
      %select_n3A_408 = arith.select %lt3A_378, %sub3A_405, %broadcast_in_dim3A_407 : vector<16xi1>, vector<16xf32>
      %swap3A_409 = arith.constant 2 : i32
      %swap3A_410 = arith.index_cast %swap3A_409 : i32 to index
      %swap3A_411 = arith.index_cast %scan3A_22 : i32 to index
      %swap3A_412 = arith.constant 80 : index
      %swap3A_413 = tpu.vector_load %arg11[%swap3A_410, %swap3A_411, %swap3A_412] {strides = array<i32>} : memref<5x64x128xf32, #tpu.memory_space<vmem>>, vector<16xf32>,
      tpu.vector_store %arg11[%swap3A_410, %swap3A_411, %swap3A_412], %select_n3A_408 {strides = array<i32>} : memref<5x64x128xf32, #tpu.memory_space<vmem>>, vector<16xf32>,
      %sub3A_414 = arith.subf %gather3A_30, %gather3A_386 : vector<16xf32>
      %jit3A_415 = arith.constant 0.000000e+00 : f32
      %broadcast_in_dim3A_416 = vector.broadcast %jit3A_415 : f32 to vector<16xf32>
      %select_n3A_417 = arith.select %lt3A_378, %sub3A_414, %broadcast_in_dim3A_416 : vector<16xi1>, vector<16xf32>
      %swap3A_418 = arith.constant 3 : i32
      %swap3A_419 = arith.index_cast %swap3A_418 : i32 to index
      %swap3A_420 = arith.index_cast %scan3A_22 : i32 to index
      %swap3A_421 = arith.constant 80 : index
      %swap3A_422 = tpu.vector_load %arg11[%swap3A_419, %swap3A_420, %swap3A_421] {strides = array<i32>} : memref<5x64x128xf32, #tpu.memory_space<vmem>>, vector<16xf32>,
      tpu.vector_store %arg11[%swap3A_419, %swap3A_420, %swap3A_421], %select_n3A_417 {strides = array<i32>} : memref<5x64x128xf32, #tpu.memory_space<vmem>>, vector<16xf32>,
      %eq3A_423 = vector.broadcast %add3A_24 : i32 to vector<16xi32>
      %eq3A_424 = arith.cmpi eq, %select_n3A_382, %eq3A_423 : vector<16xi32>
      %and3A_425 = arith.andi %lt3A_378, %eq3A_424 : vector<16xi1>
      %jit3A_426 = arith.constant 1.000000e+00 : f32
      %jit3A_427 = arith.constant 0.000000e+00 : f32
      %broadcast_in_dim3A_428 = vector.broadcast %jit3A_426 : f32 to vector<16xf32>
      %broadcast_in_dim3A_429 = vector.broadcast %jit3A_427 : f32 to vector<16xf32>
      %select_n3A_430 = arith.select %and3A_425, %broadcast_in_dim3A_428, %broadcast_in_dim3A_429 : vector<16xi1>, vector<16xf32>
      %swap3A_431 = arith.constant 4 : i32
      %swap3A_432 = arith.index_cast %swap3A_431 : i32 to index
      %swap3A_433 = arith.index_cast %scan3A_22 : i32 to index
      %swap3A_434 = arith.constant 80 : index
      %swap3A_435 = tpu.vector_load %arg11[%swap3A_432, %swap3A_433, %swap3A_434] {strides = array<i32>} : memref<5x64x128xf32, #tpu.memory_space<vmem>>, vector<16xf32>,
      tpu.vector_store %arg11[%swap3A_432, %swap3A_433, %swap3A_434], %select_n3A_430 {strides = array<i32>} : memref<5x64x128xf32, #tpu.memory_space<vmem>>, vector<16xf32>,
      %add3A_436 = arith.constant 96 : i32
      %add3A_437 = vector.broadcast %add3A_436 : i32 to vector<16xi32>
      %add3A_438 = arith.addi %add3A_437, %iota3A : vector<16xi32>
      %lt3A_439 = vector.broadcast %min3A_71 : i32 to vector<16xi32>
      %lt3A_440 = arith.cmpi slt, %add3A_438, %lt3A_439 : vector<16xi32>
      %get3A_441 = arith.constant 96 : index
      %get3A_442 = tpu.vector_load %arg10[%get3A_441] {strides = array<i32>} : memref<128xi32, #tpu.memory_space<vmem>>, vector<16xi32>,
      %broadcast_in_dim3A_443 = vector.broadcast %add3A_24 : i32 to vector<16xi32>
      %select_n3A_444 = arith.select %lt3A_440, %get3A_442, %broadcast_in_dim3A_443 : vector<16xi1>, vector<16xi32>
      %gather3A_445 = tpu.vector_load_idx %arg4[%select_n3A_444] : memref<2048xf32, #tpu.memory_space<vmem>>[vector<16xi32>], vector<16xf32>,
      %gather3A_446 = tpu.vector_load_idx %arg5[%select_n3A_444] : memref<2048xf32, #tpu.memory_space<vmem>>[vector<16xi32>], vector<16xf32>,
      %gather3A_447 = tpu.vector_load_idx %arg6[%select_n3A_444] : memref<2048xf32, #tpu.memory_space<vmem>>[vector<16xi32>], vector<16xf32>,
      %gather3A_448 = tpu.vector_load_idx %arg7[%select_n3A_444] : memref<2048xf32, #tpu.memory_space<vmem>>[vector<16xi32>], vector<16xf32>,
      %sub3A_449 = arith.subf %gather3A, %gather3A_445 : vector<16xf32>
      %jit3A_450 = arith.constant 1.000000e+09 : f32
      %broadcast_in_dim3A_451 = vector.broadcast %jit3A_450 : f32 to vector<16xf32>
      %select_n3A_452 = arith.select %lt3A_440, %sub3A_449, %broadcast_in_dim3A_451 : vector<16xi1>, vector<16xf32>
      %swap3A_453 = arith.constant 0 : i32
      %swap3A_454 = arith.index_cast %swap3A_453 : i32 to index
      %swap3A_455 = arith.index_cast %scan3A_22 : i32 to index
      %swap3A_456 = arith.constant 96 : index
      %swap3A_457 = tpu.vector_load %arg11[%swap3A_454, %swap3A_455, %swap3A_456] {strides = array<i32>} : memref<5x64x128xf32, #tpu.memory_space<vmem>>, vector<16xf32>,
      tpu.vector_store %arg11[%swap3A_454, %swap3A_455, %swap3A_456], %select_n3A_452 {strides = array<i32>} : memref<5x64x128xf32, #tpu.memory_space<vmem>>, vector<16xf32>,
      %sub3A_458 = arith.subf %gather3A_28, %gather3A_446 : vector<16xf32>
      %jit3A_459 = arith.constant 1.000000e+09 : f32
      %broadcast_in_dim3A_460 = vector.broadcast %jit3A_459 : f32 to vector<16xf32>
      %select_n3A_461 = arith.select %lt3A_440, %sub3A_458, %broadcast_in_dim3A_460 : vector<16xi1>, vector<16xf32>
      %swap3A_462 = arith.constant 1 : i32
      %swap3A_463 = arith.index_cast %swap3A_462 : i32 to index
      %swap3A_464 = arith.index_cast %scan3A_22 : i32 to index
      %swap3A_465 = arith.constant 96 : index
      %swap3A_466 = tpu.vector_load %arg11[%swap3A_463, %swap3A_464, %swap3A_465] {strides = array<i32>} : memref<5x64x128xf32, #tpu.memory_space<vmem>>, vector<16xf32>,
      tpu.vector_store %arg11[%swap3A_463, %swap3A_464, %swap3A_465], %select_n3A_461 {strides = array<i32>} : memref<5x64x128xf32, #tpu.memory_space<vmem>>, vector<16xf32>,
      %sub3A_467 = arith.subf %gather3A_29, %gather3A_447 : vector<16xf32>
      %jit3A_468 = arith.constant 0.000000e+00 : f32
      %broadcast_in_dim3A_469 = vector.broadcast %jit3A_468 : f32 to vector<16xf32>
      %select_n3A_470 = arith.select %lt3A_440, %sub3A_467, %broadcast_in_dim3A_469 : vector<16xi1>, vector<16xf32>
      %swap3A_471 = arith.constant 2 : i32
      %swap3A_472 = arith.index_cast %swap3A_471 : i32 to index
      %swap3A_473 = arith.index_cast %scan3A_22 : i32 to index
      %swap3A_474 = arith.constant 96 : index
      %swap3A_475 = tpu.vector_load %arg11[%swap3A_472, %swap3A_473, %swap3A_474] {strides = array<i32>} : memref<5x64x128xf32, #tpu.memory_space<vmem>>, vector<16xf32>,
      tpu.vector_store %arg11[%swap3A_472, %swap3A_473, %swap3A_474], %select_n3A_470 {strides = array<i32>} : memref<5x64x128xf32, #tpu.memory_space<vmem>>, vector<16xf32>,
      %sub3A_476 = arith.subf %gather3A_30, %gather3A_448 : vector<16xf32>
      %jit3A_477 = arith.constant 0.000000e+00 : f32
      %broadcast_in_dim3A_478 = vector.broadcast %jit3A_477 : f32 to vector<16xf32>
      %select_n3A_479 = arith.select %lt3A_440, %sub3A_476, %broadcast_in_dim3A_478 : vector<16xi1>, vector<16xf32>
      %swap3A_480 = arith.constant 3 : i32
      %swap3A_481 = arith.index_cast %swap3A_480 : i32 to index
      %swap3A_482 = arith.index_cast %scan3A_22 : i32 to index
      %swap3A_483 = arith.constant 96 : index
      %swap3A_484 = tpu.vector_load %arg11[%swap3A_481, %swap3A_482, %swap3A_483] {strides = array<i32>} : memref<5x64x128xf32, #tpu.memory_space<vmem>>, vector<16xf32>,
      tpu.vector_store %arg11[%swap3A_481, %swap3A_482, %swap3A_483], %select_n3A_479 {strides = array<i32>} : memref<5x64x128xf32, #tpu.memory_space<vmem>>, vector<16xf32>,
      %eq3A_485 = vector.broadcast %add3A_24 : i32 to vector<16xi32>
      %eq3A_486 = arith.cmpi eq, %select_n3A_444, %eq3A_485 : vector<16xi32>
      %and3A_487 = arith.andi %lt3A_440, %eq3A_486 : vector<16xi1>
      %jit3A_488 = arith.constant 1.000000e+00 : f32
      %jit3A_489 = arith.constant 0.000000e+00 : f32
      %broadcast_in_dim3A_490 = vector.broadcast %jit3A_488 : f32 to vector<16xf32>
      %broadcast_in_dim3A_491 = vector.broadcast %jit3A_489 : f32 to vector<16xf32>
      %select_n3A_492 = arith.select %and3A_487, %broadcast_in_dim3A_490, %broadcast_in_dim3A_491 : vector<16xi1>, vector<16xf32>
      %swap3A_493 = arith.constant 4 : i32
      %swap3A_494 = arith.index_cast %swap3A_493 : i32 to index
      %swap3A_495 = arith.index_cast %scan3A_22 : i32 to index
      %swap3A_496 = arith.constant 96 : index
      %swap3A_497 = tpu.vector_load %arg11[%swap3A_494, %swap3A_495, %swap3A_496] {strides = array<i32>} : memref<5x64x128xf32, #tpu.memory_space<vmem>>, vector<16xf32>,
      tpu.vector_store %arg11[%swap3A_494, %swap3A_495, %swap3A_496], %select_n3A_492 {strides = array<i32>} : memref<5x64x128xf32, #tpu.memory_space<vmem>>, vector<16xf32>,
      %add3A_498 = arith.constant 112 : i32
      %add3A_499 = vector.broadcast %add3A_498 : i32 to vector<16xi32>
      %add3A_500 = arith.addi %add3A_499, %iota3A : vector<16xi32>
      %lt3A_501 = vector.broadcast %min3A_71 : i32 to vector<16xi32>
      %lt3A_502 = arith.cmpi slt, %add3A_500, %lt3A_501 : vector<16xi32>
      %get3A_503 = arith.constant 112 : index
      %get3A_504 = tpu.vector_load %arg10[%get3A_503] {strides = array<i32>} : memref<128xi32, #tpu.memory_space<vmem>>, vector<16xi32>,
      %broadcast_in_dim3A_505 = vector.broadcast %add3A_24 : i32 to vector<16xi32>
      %select_n3A_506 = arith.select %lt3A_502, %get3A_504, %broadcast_in_dim3A_505 : vector<16xi1>, vector<16xi32>
      %gather3A_507 = tpu.vector_load_idx %arg4[%select_n3A_506] : memref<2048xf32, #tpu.memory_space<vmem>>[vector<16xi32>], vector<16xf32>,
      %gather3A_508 = tpu.vector_load_idx %arg5[%select_n3A_506] : memref<2048xf32, #tpu.memory_space<vmem>>[vector<16xi32>], vector<16xf32>,
      %gather3A_509 = tpu.vector_load_idx %arg6[%select_n3A_506] : memref<2048xf32, #tpu.memory_space<vmem>>[vector<16xi32>], vector<16xf32>,
      %gather3A_510 = tpu.vector_load_idx %arg7[%select_n3A_506] : memref<2048xf32, #tpu.memory_space<vmem>>[vector<16xi32>], vector<16xf32>,
      %sub3A_511 = arith.subf %gather3A, %gather3A_507 : vector<16xf32>
      %jit3A_512 = arith.constant 1.000000e+09 : f32
      %broadcast_in_dim3A_513 = vector.broadcast %jit3A_512 : f32 to vector<16xf32>
      %select_n3A_514 = arith.select %lt3A_502, %sub3A_511, %broadcast_in_dim3A_513 : vector<16xi1>, vector<16xf32>
      %swap3A_515 = arith.constant 0 : i32
      %swap3A_516 = arith.index_cast %swap3A_515 : i32 to index
      %swap3A_517 = arith.index_cast %scan3A_22 : i32 to index
      %swap3A_518 = arith.constant 112 : index
      %swap3A_519 = tpu.vector_load %arg11[%swap3A_516, %swap3A_517, %swap3A_518] {strides = array<i32>} : memref<5x64x128xf32, #tpu.memory_space<vmem>>, vector<16xf32>,
      tpu.vector_store %arg11[%swap3A_516, %swap3A_517, %swap3A_518], %select_n3A_514 {strides = array<i32>} : memref<5x64x128xf32, #tpu.memory_space<vmem>>, vector<16xf32>,
      %sub3A_520 = arith.subf %gather3A_28, %gather3A_508 : vector<16xf32>
      %jit3A_521 = arith.constant 1.000000e+09 : f32
      %broadcast_in_dim3A_522 = vector.broadcast %jit3A_521 : f32 to vector<16xf32>
      %select_n3A_523 = arith.select %lt3A_502, %sub3A_520, %broadcast_in_dim3A_522 : vector<16xi1>, vector<16xf32>
      %swap3A_524 = arith.constant 1 : i32
      %swap3A_525 = arith.index_cast %swap3A_524 : i32 to index
      %swap3A_526 = arith.index_cast %scan3A_22 : i32 to index
      %swap3A_527 = arith.constant 112 : index
      %swap3A_528 = tpu.vector_load %arg11[%swap3A_525, %swap3A_526, %swap3A_527] {strides = array<i32>} : memref<5x64x128xf32, #tpu.memory_space<vmem>>, vector<16xf32>,
      tpu.vector_store %arg11[%swap3A_525, %swap3A_526, %swap3A_527], %select_n3A_523 {strides = array<i32>} : memref<5x64x128xf32, #tpu.memory_space<vmem>>, vector<16xf32>,
      %sub3A_529 = arith.subf %gather3A_29, %gather3A_509 : vector<16xf32>
      %jit3A_530 = arith.constant 0.000000e+00 : f32
      %broadcast_in_dim3A_531 = vector.broadcast %jit3A_530 : f32 to vector<16xf32>
      %select_n3A_532 = arith.select %lt3A_502, %sub3A_529, %broadcast_in_dim3A_531 : vector<16xi1>, vector<16xf32>
      %swap3A_533 = arith.constant 2 : i32
      %swap3A_534 = arith.index_cast %swap3A_533 : i32 to index
      %swap3A_535 = arith.index_cast %scan3A_22 : i32 to index
      %swap3A_536 = arith.constant 112 : index
      %swap3A_537 = tpu.vector_load %arg11[%swap3A_534, %swap3A_535, %swap3A_536] {strides = array<i32>} : memref<5x64x128xf32, #tpu.memory_space<vmem>>, vector<16xf32>,
      tpu.vector_store %arg11[%swap3A_534, %swap3A_535, %swap3A_536], %select_n3A_532 {strides = array<i32>} : memref<5x64x128xf32, #tpu.memory_space<vmem>>, vector<16xf32>,
      %sub3A_538 = arith.subf %gather3A_30, %gather3A_510 : vector<16xf32>
      %jit3A_539 = arith.constant 0.000000e+00 : f32
      %broadcast_in_dim3A_540 = vector.broadcast %jit3A_539 : f32 to vector<16xf32>
      %select_n3A_541 = arith.select %lt3A_502, %sub3A_538, %broadcast_in_dim3A_540 : vector<16xi1>, vector<16xf32>
      %swap3A_542 = arith.constant 3 : i32
      %swap3A_543 = arith.index_cast %swap3A_542 : i32 to index
      %swap3A_544 = arith.index_cast %scan3A_22 : i32 to index
      %swap3A_545 = arith.constant 112 : index
      %swap3A_546 = tpu.vector_load %arg11[%swap3A_543, %swap3A_544, %swap3A_545] {strides = array<i32>} : memref<5x64x128xf32, #tpu.memory_space<vmem>>, vector<16xf32>,
      tpu.vector_store %arg11[%swap3A_543, %swap3A_544, %swap3A_545], %select_n3A_541 {strides = array<i32>} : memref<5x64x128xf32, #tpu.memory_space<vmem>>, vector<16xf32>,
      %eq3A_547 = vector.broadcast %add3A_24 : i32 to vector<16xi32>
      %eq3A_548 = arith.cmpi eq, %select_n3A_506, %eq3A_547 : vector<16xi32>
      %and3A_549 = arith.andi %lt3A_502, %eq3A_548 : vector<16xi1>
      %jit3A_550 = arith.constant 1.000000e+00 : f32
      %jit3A_551 = arith.constant 0.000000e+00 : f32
      %broadcast_in_dim3A_552 = vector.broadcast %jit3A_550 : f32 to vector<16xf32>
      %broadcast_in_dim3A_553 = vector.broadcast %jit3A_551 : f32 to vector<16xf32>
      %select_n3A_554 = arith.select %and3A_549, %broadcast_in_dim3A_552, %broadcast_in_dim3A_553 : vector<16xi1>, vector<16xf32>
      %swap3A_555 = arith.constant 4 : i32
      %swap3A_556 = arith.index_cast %swap3A_555 : i32 to index
      %swap3A_557 = arith.index_cast %scan3A_22 : i32 to index
      %swap3A_558 = arith.constant 112 : index
      %swap3A_559 = tpu.vector_load %arg11[%swap3A_556, %swap3A_557, %swap3A_558] {strides = array<i32>} : memref<5x64x128xf32, #tpu.memory_space<vmem>>, vector<16xf32>,
      tpu.vector_store %arg11[%swap3A_556, %swap3A_557, %swap3A_558], %select_n3A_554 {strides = array<i32>} : memref<5x64x128xf32, #tpu.memory_space<vmem>>, vector<16xf32>,
      %scan3A_560 = arith.constant 0 : i32
      scf.yield %scan3A_560 : i32
    }
    %scan3A_11 = arith.constant 64 : i32
    %run_scoped3A_12 = arith.constant 0 : i32
    %run_scoped3A_13 = arith.constant 0 : i32
    "tpu.region"() ({
      %run_scoped3A_22 = tpu.sem_alloc : memref<!tpu.dma_semaphore, #tpu.memory_space<semaphore_mem>>
      %dma_start3A = arith.constant 0 : i32
      %dma_start3A_23 = arith.constant 0 : i32
      %dma_start3A_24 = tpu.memref_slice %arg11[%run_scoped3A_12, %dma_start3A, %dma_start3A_23] : memref<5x64x128xf32, #tpu.memory_space<vmem>> -> memref<1x64x128xf32, #tpu.memory_space<vmem>>
      %dma_start3A_25 = tpu.memref_squeeze %dma_start3A_24 : memref<1x64x128xf32, #tpu.memory_space<vmem>> -> memref<64x128xf32, #tpu.memory_space<vmem>>
      %dma_start3A_26 = arith.constant 0 : i32
      %dma_start3A_27 = tpu.memref_slice %arg3[%run_scoped3A_13, %mul3A_2, %dma_start3A_26] : memref<5x2048x128xf32, #tpu.memory_space<hbm>> -> memref<1x64x128xf32, #tpu.memory_space<hbm>>
      %dma_start3A_28 = tpu.memref_squeeze %dma_start3A_27 : memref<1x64x128xf32, #tpu.memory_space<hbm>> -> memref<64x128xf32, #tpu.memory_space<hbm>>
      %dma_start3A_29 = arith.constant 0 : i32
      %dma_start3A_30 = tpu.memref_slice %arg3[%run_scoped3A_13, %mul3A_2, %dma_start3A_29] : memref<5x2048x128xf32, #tpu.memory_space<hbm>> -> memref<1x64x128xf32, #tpu.memory_space<hbm>>
      %dma_start3A_31 = tpu.memref_squeeze %dma_start3A_30 : memref<1x64x128xf32, #tpu.memory_space<hbm>> -> memref<64x128xf32, #tpu.memory_space<hbm>>
      %dma_start3A_32 = arith.constant 0 : i32
      %dma_start3A_33 = arith.constant 0 : i32
      %dma_start3A_34 = tpu.memref_slice %arg11[%run_scoped3A_12, %dma_start3A_32, %dma_start3A_33] : memref<5x64x128xf32, #tpu.memory_space<vmem>> -> memref<1x64x128xf32, #tpu.memory_space<vmem>>
      %dma_start3A_35 = tpu.memref_squeeze %dma_start3A_34 : memref<1x64x128xf32, #tpu.memory_space<vmem>> -> memref<64x128xf32, #tpu.memory_space<vmem>>
      tpu.enqueue_dma source(%dma_start3A_35 : memref<64x128xf32, #tpu.memory_space<vmem>>) target(%dma_start3A_31 : memref<64x128xf32, #tpu.memory_space<hbm>>) target_semaphore(%run_scoped3A_22 : memref<!tpu.dma_semaphore, #tpu.memory_space<semaphore_mem>>)
      %dma_wait3A = arith.constant 0 : i32
      %dma_wait3A_36 = arith.constant 0 : i32
      %dma_wait3A_37 = tpu.memref_slice %arg11[%run_scoped3A_12, %dma_wait3A, %dma_wait3A_36] : memref<5x64x128xf32, #tpu.memory_space<vmem>> -> memref<1x64x128xf32, #tpu.memory_space<vmem>>
      %dma_wait3A_38 = tpu.memref_squeeze %dma_wait3A_37 : memref<1x64x128xf32, #tpu.memory_space<vmem>> -> memref<64x128xf32, #tpu.memory_space<vmem>>
      %dma_wait3A_39 = arith.constant 0 : i32
      %dma_wait3A_40 = tpu.memref_slice %arg3[%run_scoped3A_13, %mul3A_2, %dma_wait3A_39] : memref<5x2048x128xf32, #tpu.memory_space<hbm>> -> memref<1x64x128xf32, #tpu.memory_space<hbm>>
      %dma_wait3A_41 = tpu.memref_squeeze %dma_wait3A_40 : memref<1x64x128xf32, #tpu.memory_space<hbm>> -> memref<64x128xf32, #tpu.memory_space<hbm>>
      %dma_wait3A_42 = arith.constant 0 : i32
      %dma_wait3A_43 = tpu.memref_slice %arg3[%run_scoped3A_13, %mul3A_2, %dma_wait3A_42] : memref<5x2048x128xf32, #tpu.memory_space<hbm>> -> memref<1x64x128xf32, #tpu.memory_space<hbm>>
      %dma_wait3A_44 = tpu.memref_squeeze %dma_wait3A_43 : memref<1x64x128xf32, #tpu.memory_space<hbm>> -> memref<64x128xf32, #tpu.memory_space<hbm>>
      %dma_wait3A_45 = arith.constant 0 : i32
      %dma_wait3A_46 = arith.constant 0 : i32
      %dma_wait3A_47 = tpu.memref_slice %arg11[%run_scoped3A_12, %dma_wait3A_45, %dma_wait3A_46] : memref<5x64x128xf32, #tpu.memory_space<vmem>> -> memref<1x64x128xf32, #tpu.memory_space<vmem>>
      %dma_wait3A_48 = tpu.memref_squeeze %dma_wait3A_47 : memref<1x64x128xf32, #tpu.memory_space<vmem>> -> memref<64x128xf32, #tpu.memory_space<vmem>>
      tpu.wait_dma2 semaphore(%run_scoped3A_22 : memref<!tpu.dma_semaphore, #tpu.memory_space<semaphore_mem>>) src(%dma_wait3A_48 : memref<64x128xf32, #tpu.memory_space<vmem>>) dst(%dma_wait3A_44 : memref<64x128xf32, #tpu.memory_space<hbm>>)
      tpu.yield
    }) : () -> ()
    %run_scoped3A_14 = arith.constant 1 : i32
    %run_scoped3A_15 = arith.constant 1 : i32
    "tpu.region"() ({
      %run_scoped3A_22 = tpu.sem_alloc : memref<!tpu.dma_semaphore, #tpu.memory_space<semaphore_mem>>
      %dma_start3A = arith.constant 0 : i32
      %dma_start3A_23 = arith.constant 0 : i32
      %dma_start3A_24 = tpu.memref_slice %arg11[%run_scoped3A_14, %dma_start3A, %dma_start3A_23] : memref<5x64x128xf32, #tpu.memory_space<vmem>> -> memref<1x64x128xf32, #tpu.memory_space<vmem>>
      %dma_start3A_25 = tpu.memref_squeeze %dma_start3A_24 : memref<1x64x128xf32, #tpu.memory_space<vmem>> -> memref<64x128xf32, #tpu.memory_space<vmem>>
      %dma_start3A_26 = arith.constant 0 : i32
      %dma_start3A_27 = tpu.memref_slice %arg3[%run_scoped3A_15, %mul3A_2, %dma_start3A_26] : memref<5x2048x128xf32, #tpu.memory_space<hbm>> -> memref<1x64x128xf32, #tpu.memory_space<hbm>>
      %dma_start3A_28 = tpu.memref_squeeze %dma_start3A_27 : memref<1x64x128xf32, #tpu.memory_space<hbm>> -> memref<64x128xf32, #tpu.memory_space<hbm>>
      %dma_start3A_29 = arith.constant 0 : i32
      %dma_start3A_30 = tpu.memref_slice %arg3[%run_scoped3A_15, %mul3A_2, %dma_start3A_29] : memref<5x2048x128xf32, #tpu.memory_space<hbm>> -> memref<1x64x128xf32, #tpu.memory_space<hbm>>
      %dma_start3A_31 = tpu.memref_squeeze %dma_start3A_30 : memref<1x64x128xf32, #tpu.memory_space<hbm>> -> memref<64x128xf32, #tpu.memory_space<hbm>>
      %dma_start3A_32 = arith.constant 0 : i32
      %dma_start3A_33 = arith.constant 0 : i32
      %dma_start3A_34 = tpu.memref_slice %arg11[%run_scoped3A_14, %dma_start3A_32, %dma_start3A_33] : memref<5x64x128xf32, #tpu.memory_space<vmem>> -> memref<1x64x128xf32, #tpu.memory_space<vmem>>
      %dma_start3A_35 = tpu.memref_squeeze %dma_start3A_34 : memref<1x64x128xf32, #tpu.memory_space<vmem>> -> memref<64x128xf32, #tpu.memory_space<vmem>>
      tpu.enqueue_dma source(%dma_start3A_35 : memref<64x128xf32, #tpu.memory_space<vmem>>) target(%dma_start3A_31 : memref<64x128xf32, #tpu.memory_space<hbm>>) target_semaphore(%run_scoped3A_22 : memref<!tpu.dma_semaphore, #tpu.memory_space<semaphore_mem>>)
      %dma_wait3A = arith.constant 0 : i32
      %dma_wait3A_36 = arith.constant 0 : i32
      %dma_wait3A_37 = tpu.memref_slice %arg11[%run_scoped3A_14, %dma_wait3A, %dma_wait3A_36] : memref<5x64x128xf32, #tpu.memory_space<vmem>> -> memref<1x64x128xf32, #tpu.memory_space<vmem>>
      %dma_wait3A_38 = tpu.memref_squeeze %dma_wait3A_37 : memref<1x64x128xf32, #tpu.memory_space<vmem>> -> memref<64x128xf32, #tpu.memory_space<vmem>>
      %dma_wait3A_39 = arith.constant 0 : i32
      %dma_wait3A_40 = tpu.memref_slice %arg3[%run_scoped3A_15, %mul3A_2, %dma_wait3A_39] : memref<5x2048x128xf32, #tpu.memory_space<hbm>> -> memref<1x64x128xf32, #tpu.memory_space<hbm>>
      %dma_wait3A_41 = tpu.memref_squeeze %dma_wait3A_40 : memref<1x64x128xf32, #tpu.memory_space<hbm>> -> memref<64x128xf32, #tpu.memory_space<hbm>>
      %dma_wait3A_42 = arith.constant 0 : i32
      %dma_wait3A_43 = tpu.memref_slice %arg3[%run_scoped3A_15, %mul3A_2, %dma_wait3A_42] : memref<5x2048x128xf32, #tpu.memory_space<hbm>> -> memref<1x64x128xf32, #tpu.memory_space<hbm>>
      %dma_wait3A_44 = tpu.memref_squeeze %dma_wait3A_43 : memref<1x64x128xf32, #tpu.memory_space<hbm>> -> memref<64x128xf32, #tpu.memory_space<hbm>>
      %dma_wait3A_45 = arith.constant 0 : i32
      %dma_wait3A_46 = arith.constant 0 : i32
      %dma_wait3A_47 = tpu.memref_slice %arg11[%run_scoped3A_14, %dma_wait3A_45, %dma_wait3A_46] : memref<5x64x128xf32, #tpu.memory_space<vmem>> -> memref<1x64x128xf32, #tpu.memory_space<vmem>>
      %dma_wait3A_48 = tpu.memref_squeeze %dma_wait3A_47 : memref<1x64x128xf32, #tpu.memory_space<vmem>> -> memref<64x128xf32, #tpu.memory_space<vmem>>
      tpu.wait_dma2 semaphore(%run_scoped3A_22 : memref<!tpu.dma_semaphore, #tpu.memory_space<semaphore_mem>>) src(%dma_wait3A_48 : memref<64x128xf32, #tpu.memory_space<vmem>>) dst(%dma_wait3A_44 : memref<64x128xf32, #tpu.memory_space<hbm>>)
      tpu.yield
    }) : () -> ()
    %run_scoped3A_16 = arith.constant 2 : i32
    %run_scoped3A_17 = arith.constant 2 : i32
    "tpu.region"() ({
      %run_scoped3A_22 = tpu.sem_alloc : memref<!tpu.dma_semaphore, #tpu.memory_space<semaphore_mem>>
      %dma_start3A = arith.constant 0 : i32
      %dma_start3A_23 = arith.constant 0 : i32
      %dma_start3A_24 = tpu.memref_slice %arg11[%run_scoped3A_16, %dma_start3A, %dma_start3A_23] : memref<5x64x128xf32, #tpu.memory_space<vmem>> -> memref<1x64x128xf32, #tpu.memory_space<vmem>>
      %dma_start3A_25 = tpu.memref_squeeze %dma_start3A_24 : memref<1x64x128xf32, #tpu.memory_space<vmem>> -> memref<64x128xf32, #tpu.memory_space<vmem>>
      %dma_start3A_26 = arith.constant 0 : i32
      %dma_start3A_27 = tpu.memref_slice %arg3[%run_scoped3A_17, %mul3A_2, %dma_start3A_26] : memref<5x2048x128xf32, #tpu.memory_space<hbm>> -> memref<1x64x128xf32, #tpu.memory_space<hbm>>
      %dma_start3A_28 = tpu.memref_squeeze %dma_start3A_27 : memref<1x64x128xf32, #tpu.memory_space<hbm>> -> memref<64x128xf32, #tpu.memory_space<hbm>>
      %dma_start3A_29 = arith.constant 0 : i32
      %dma_start3A_30 = tpu.memref_slice %arg3[%run_scoped3A_17, %mul3A_2, %dma_start3A_29] : memref<5x2048x128xf32, #tpu.memory_space<hbm>> -> memref<1x64x128xf32, #tpu.memory_space<hbm>>
      %dma_start3A_31 = tpu.memref_squeeze %dma_start3A_30 : memref<1x64x128xf32, #tpu.memory_space<hbm>> -> memref<64x128xf32, #tpu.memory_space<hbm>>
      %dma_start3A_32 = arith.constant 0 : i32
      %dma_start3A_33 = arith.constant 0 : i32
      %dma_start3A_34 = tpu.memref_slice %arg11[%run_scoped3A_16, %dma_start3A_32, %dma_start3A_33] : memref<5x64x128xf32, #tpu.memory_space<vmem>> -> memref<1x64x128xf32, #tpu.memory_space<vmem>>
      %dma_start3A_35 = tpu.memref_squeeze %dma_start3A_34 : memref<1x64x128xf32, #tpu.memory_space<vmem>> -> memref<64x128xf32, #tpu.memory_space<vmem>>
      tpu.enqueue_dma source(%dma_start3A_35 : memref<64x128xf32, #tpu.memory_space<vmem>>) target(%dma_start3A_31 : memref<64x128xf32, #tpu.memory_space<hbm>>) target_semaphore(%run_scoped3A_22 : memref<!tpu.dma_semaphore, #tpu.memory_space<semaphore_mem>>)
      %dma_wait3A = arith.constant 0 : i32
      %dma_wait3A_36 = arith.constant 0 : i32
      %dma_wait3A_37 = tpu.memref_slice %arg11[%run_scoped3A_16, %dma_wait3A, %dma_wait3A_36] : memref<5x64x128xf32, #tpu.memory_space<vmem>> -> memref<1x64x128xf32, #tpu.memory_space<vmem>>
      %dma_wait3A_38 = tpu.memref_squeeze %dma_wait3A_37 : memref<1x64x128xf32, #tpu.memory_space<vmem>> -> memref<64x128xf32, #tpu.memory_space<vmem>>
      %dma_wait3A_39 = arith.constant 0 : i32
      %dma_wait3A_40 = tpu.memref_slice %arg3[%run_scoped3A_17, %mul3A_2, %dma_wait3A_39] : memref<5x2048x128xf32, #tpu.memory_space<hbm>> -> memref<1x64x128xf32, #tpu.memory_space<hbm>>
      %dma_wait3A_41 = tpu.memref_squeeze %dma_wait3A_40 : memref<1x64x128xf32, #tpu.memory_space<hbm>> -> memref<64x128xf32, #tpu.memory_space<hbm>>
      %dma_wait3A_42 = arith.constant 0 : i32
      %dma_wait3A_43 = tpu.memref_slice %arg3[%run_scoped3A_17, %mul3A_2, %dma_wait3A_42] : memref<5x2048x128xf32, #tpu.memory_space<hbm>> -> memref<1x64x128xf32, #tpu.memory_space<hbm>>
      %dma_wait3A_44 = tpu.memref_squeeze %dma_wait3A_43 : memref<1x64x128xf32, #tpu.memory_space<hbm>> -> memref<64x128xf32, #tpu.memory_space<hbm>>
      %dma_wait3A_45 = arith.constant 0 : i32
      %dma_wait3A_46 = arith.constant 0 : i32
      %dma_wait3A_47 = tpu.memref_slice %arg11[%run_scoped3A_16, %dma_wait3A_45, %dma_wait3A_46] : memref<5x64x128xf32, #tpu.memory_space<vmem>> -> memref<1x64x128xf32, #tpu.memory_space<vmem>>
      %dma_wait3A_48 = tpu.memref_squeeze %dma_wait3A_47 : memref<1x64x128xf32, #tpu.memory_space<vmem>> -> memref<64x128xf32, #tpu.memory_space<vmem>>
      tpu.wait_dma2 semaphore(%run_scoped3A_22 : memref<!tpu.dma_semaphore, #tpu.memory_space<semaphore_mem>>) src(%dma_wait3A_48 : memref<64x128xf32, #tpu.memory_space<vmem>>) dst(%dma_wait3A_44 : memref<64x128xf32, #tpu.memory_space<hbm>>)
      tpu.yield
    }) : () -> ()
    %run_scoped3A_18 = arith.constant 3 : i32
    %run_scoped3A_19 = arith.constant 3 : i32
    "tpu.region"() ({
      %run_scoped3A_22 = tpu.sem_alloc : memref<!tpu.dma_semaphore, #tpu.memory_space<semaphore_mem>>
      %dma_start3A = arith.constant 0 : i32
      %dma_start3A_23 = arith.constant 0 : i32
      %dma_start3A_24 = tpu.memref_slice %arg11[%run_scoped3A_18, %dma_start3A, %dma_start3A_23] : memref<5x64x128xf32, #tpu.memory_space<vmem>> -> memref<1x64x128xf32, #tpu.memory_space<vmem>>
      %dma_start3A_25 = tpu.memref_squeeze %dma_start3A_24 : memref<1x64x128xf32, #tpu.memory_space<vmem>> -> memref<64x128xf32, #tpu.memory_space<vmem>>
      %dma_start3A_26 = arith.constant 0 : i32
      %dma_start3A_27 = tpu.memref_slice %arg3[%run_scoped3A_19, %mul3A_2, %dma_start3A_26] : memref<5x2048x128xf32, #tpu.memory_space<hbm>> -> memref<1x64x128xf32, #tpu.memory_space<hbm>>
      %dma_start3A_28 = tpu.memref_squeeze %dma_start3A_27 : memref<1x64x128xf32, #tpu.memory_space<hbm>> -> memref<64x128xf32, #tpu.memory_space<hbm>>
      %dma_start3A_29 = arith.constant 0 : i32
      %dma_start3A_30 = tpu.memref_slice %arg3[%run_scoped3A_19, %mul3A_2, %dma_start3A_29] : memref<5x2048x128xf32, #tpu.memory_space<hbm>> -> memref<1x64x128xf32, #tpu.memory_space<hbm>>
      %dma_start3A_31 = tpu.memref_squeeze %dma_start3A_30 : memref<1x64x128xf32, #tpu.memory_space<hbm>> -> memref<64x128xf32, #tpu.memory_space<hbm>>
      %dma_start3A_32 = arith.constant 0 : i32
      %dma_start3A_33 = arith.constant 0 : i32
      %dma_start3A_34 = tpu.memref_slice %arg11[%run_scoped3A_18, %dma_start3A_32, %dma_start3A_33] : memref<5x64x128xf32, #tpu.memory_space<vmem>> -> memref<1x64x128xf32, #tpu.memory_space<vmem>>
      %dma_start3A_35 = tpu.memref_squeeze %dma_start3A_34 : memref<1x64x128xf32, #tpu.memory_space<vmem>> -> memref<64x128xf32, #tpu.memory_space<vmem>>
      tpu.enqueue_dma source(%dma_start3A_35 : memref<64x128xf32, #tpu.memory_space<vmem>>) target(%dma_start3A_31 : memref<64x128xf32, #tpu.memory_space<hbm>>) target_semaphore(%run_scoped3A_22 : memref<!tpu.dma_semaphore, #tpu.memory_space<semaphore_mem>>)
      %dma_wait3A = arith.constant 0 : i32
      %dma_wait3A_36 = arith.constant 0 : i32
      %dma_wait3A_37 = tpu.memref_slice %arg11[%run_scoped3A_18, %dma_wait3A, %dma_wait3A_36] : memref<5x64x128xf32, #tpu.memory_space<vmem>> -> memref<1x64x128xf32, #tpu.memory_space<vmem>>
      %dma_wait3A_38 = tpu.memref_squeeze %dma_wait3A_37 : memref<1x64x128xf32, #tpu.memory_space<vmem>> -> memref<64x128xf32, #tpu.memory_space<vmem>>
      %dma_wait3A_39 = arith.constant 0 : i32
      %dma_wait3A_40 = tpu.memref_slice %arg3[%run_scoped3A_19, %mul3A_2, %dma_wait3A_39] : memref<5x2048x128xf32, #tpu.memory_space<hbm>> -> memref<1x64x128xf32, #tpu.memory_space<hbm>>
      %dma_wait3A_41 = tpu.memref_squeeze %dma_wait3A_40 : memref<1x64x128xf32, #tpu.memory_space<hbm>> -> memref<64x128xf32, #tpu.memory_space<hbm>>
      %dma_wait3A_42 = arith.constant 0 : i32
      %dma_wait3A_43 = tpu.memref_slice %arg3[%run_scoped3A_19, %mul3A_2, %dma_wait3A_42] : memref<5x2048x128xf32, #tpu.memory_space<hbm>> -> memref<1x64x128xf32, #tpu.memory_space<hbm>>
      %dma_wait3A_44 = tpu.memref_squeeze %dma_wait3A_43 : memref<1x64x128xf32, #tpu.memory_space<hbm>> -> memref<64x128xf32, #tpu.memory_space<hbm>>
      %dma_wait3A_45 = arith.constant 0 : i32
      %dma_wait3A_46 = arith.constant 0 : i32
      %dma_wait3A_47 = tpu.memref_slice %arg11[%run_scoped3A_18, %dma_wait3A_45, %dma_wait3A_46] : memref<5x64x128xf32, #tpu.memory_space<vmem>> -> memref<1x64x128xf32, #tpu.memory_space<vmem>>
      %dma_wait3A_48 = tpu.memref_squeeze %dma_wait3A_47 : memref<1x64x128xf32, #tpu.memory_space<vmem>> -> memref<64x128xf32, #tpu.memory_space<vmem>>
      tpu.wait_dma2 semaphore(%run_scoped3A_22 : memref<!tpu.dma_semaphore, #tpu.memory_space<semaphore_mem>>) src(%dma_wait3A_48 : memref<64x128xf32, #tpu.memory_space<vmem>>) dst(%dma_wait3A_44 : memref<64x128xf32, #tpu.memory_space<hbm>>)
      tpu.yield
    }) : () -> ()
    %run_scoped3A_20 = arith.constant 4 : i32
    %run_scoped3A_21 = arith.constant 4 : i32
    "tpu.region"() ({
      %run_scoped3A_22 = tpu.sem_alloc : memref<!tpu.dma_semaphore, #tpu.memory_space<semaphore_mem>>
      %dma_start3A = arith.constant 0 : i32
      %dma_start3A_23 = arith.constant 0 : i32
      %dma_start3A_24 = tpu.memref_slice %arg11[%run_scoped3A_20, %dma_start3A, %dma_start3A_23] : memref<5x64x128xf32, #tpu.memory_space<vmem>> -> memref<1x64x128xf32, #tpu.memory_space<vmem>>
      %dma_start3A_25 = tpu.memref_squeeze %dma_start3A_24 : memref<1x64x128xf32, #tpu.memory_space<vmem>> -> memref<64x128xf32, #tpu.memory_space<vmem>>
      %dma_start3A_26 = arith.constant 0 : i32
      %dma_start3A_27 = tpu.memref_slice %arg3[%run_scoped3A_21, %mul3A_2, %dma_start3A_26] : memref<5x2048x128xf32, #tpu.memory_space<hbm>> -> memref<1x64x128xf32, #tpu.memory_space<hbm>>
      %dma_start3A_28 = tpu.memref_squeeze %dma_start3A_27 : memref<1x64x128xf32, #tpu.memory_space<hbm>> -> memref<64x128xf32, #tpu.memory_space<hbm>>
      %dma_start3A_29 = arith.constant 0 : i32
      %dma_start3A_30 = tpu.memref_slice %arg3[%run_scoped3A_21, %mul3A_2, %dma_start3A_29] : memref<5x2048x128xf32, #tpu.memory_space<hbm>> -> memref<1x64x128xf32, #tpu.memory_space<hbm>>
      %dma_start3A_31 = tpu.memref_squeeze %dma_start3A_30 : memref<1x64x128xf32, #tpu.memory_space<hbm>> -> memref<64x128xf32, #tpu.memory_space<hbm>>
      %dma_start3A_32 = arith.constant 0 : i32
      %dma_start3A_33 = arith.constant 0 : i32
      %dma_start3A_34 = tpu.memref_slice %arg11[%run_scoped3A_20, %dma_start3A_32, %dma_start3A_33] : memref<5x64x128xf32, #tpu.memory_space<vmem>> -> memref<1x64x128xf32, #tpu.memory_space<vmem>>
      %dma_start3A_35 = tpu.memref_squeeze %dma_start3A_34 : memref<1x64x128xf32, #tpu.memory_space<vmem>> -> memref<64x128xf32, #tpu.memory_space<vmem>>
      tpu.enqueue_dma source(%dma_start3A_35 : memref<64x128xf32, #tpu.memory_space<vmem>>) target(%dma_start3A_31 : memref<64x128xf32, #tpu.memory_space<hbm>>) target_semaphore(%run_scoped3A_22 : memref<!tpu.dma_semaphore, #tpu.memory_space<semaphore_mem>>)
      %dma_wait3A = arith.constant 0 : i32
      %dma_wait3A_36 = arith.constant 0 : i32
      %dma_wait3A_37 = tpu.memref_slice %arg11[%run_scoped3A_20, %dma_wait3A, %dma_wait3A_36] : memref<5x64x128xf32, #tpu.memory_space<vmem>> -> memref<1x64x128xf32, #tpu.memory_space<vmem>>
      %dma_wait3A_38 = tpu.memref_squeeze %dma_wait3A_37 : memref<1x64x128xf32, #tpu.memory_space<vmem>> -> memref<64x128xf32, #tpu.memory_space<vmem>>
      %dma_wait3A_39 = arith.constant 0 : i32
      %dma_wait3A_40 = tpu.memref_slice %arg3[%run_scoped3A_21, %mul3A_2, %dma_wait3A_39] : memref<5x2048x128xf32, #tpu.memory_space<hbm>> -> memref<1x64x128xf32, #tpu.memory_space<hbm>>
      %dma_wait3A_41 = tpu.memref_squeeze %dma_wait3A_40 : memref<1x64x128xf32, #tpu.memory_space<hbm>> -> memref<64x128xf32, #tpu.memory_space<hbm>>
      %dma_wait3A_42 = arith.constant 0 : i32
      %dma_wait3A_43 = tpu.memref_slice %arg3[%run_scoped3A_21, %mul3A_2, %dma_wait3A_42] : memref<5x2048x128xf32, #tpu.memory_space<hbm>> -> memref<1x64x128xf32, #tpu.memory_space<hbm>>
      %dma_wait3A_44 = tpu.memref_squeeze %dma_wait3A_43 : memref<1x64x128xf32, #tpu.memory_space<hbm>> -> memref<64x128xf32, #tpu.memory_space<hbm>>
      %dma_wait3A_45 = arith.constant 0 : i32
      %dma_wait3A_46 = arith.constant 0 : i32
      %dma_wait3A_47 = tpu.memref_slice %arg11[%run_scoped3A_20, %dma_wait3A_45, %dma_wait3A_46] : memref<5x64x128xf32, #tpu.memory_space<vmem>> -> memref<1x64x128xf32, #tpu.memory_space<vmem>>
      %dma_wait3A_48 = tpu.memref_squeeze %dma_wait3A_47 : memref<1x64x128xf32, #tpu.memory_space<vmem>> -> memref<64x128xf32, #tpu.memory_space<vmem>>
      tpu.wait_dma2 semaphore(%run_scoped3A_22 : memref<!tpu.dma_semaphore, #tpu.memory_space<semaphore_mem>>) src(%dma_wait3A_48 : memref<64x128xf32, #tpu.memory_space<vmem>>) dst(%dma_wait3A_44 : memref<64x128xf32, #tpu.memory_space<hbm>>)
      tpu.yield
    }) : () -> ()
    return
  }
}

module attributes {stable_mosaic.version = 14 : i64} {
  func.func @_tc_body(%arg0: i32, %arg1: memref<5x256x128xf32, #tpu.memory_space<vmem>>, %arg2: memref<256x4xf32, #tpu.memory_space<vmem>>, %arg3: memref<256x2xf32, #tpu.memory_space<vmem>>, %arg4: memref<5x64xf32, #tpu.memory_space<vmem>>, %arg5: memref<1x64xf32, #tpu.memory_space<vmem>>, %arg6: memref<64x128xf32, #tpu.memory_space<vmem>>, %arg7: memref<1x128xf32, #tpu.memory_space<vmem>>, %arg8: memref<132x64xf32, #tpu.memory_space<vmem>>, %arg9: memref<1x64xf32, #tpu.memory_space<vmem>>, %arg10: memref<64x128xf32, #tpu.memory_space<vmem>>, %arg11: memref<1x128xf32, #tpu.memory_space<vmem>>, %arg12: memref<128x64xf32, #tpu.memory_space<vmem>>, %arg13: memref<1x64xf32, #tpu.memory_space<vmem>>, %arg14: memref<64x4xf32, #tpu.memory_space<vmem>>, %arg15: memref<1x4xf32, #tpu.memory_space<vmem>>, %arg16: memref<256x2xf32, #tpu.memory_space<vmem>>) attributes {dimension_semantics = [#tpu.dimension_semantics<arbitrary>], iteration_bounds = array<i64: 8>, scalar_prefetch = 0 : i64, scratch_operands = 0 : i64, tpu.core_type = #tpu.core_type<tc>, window_params = [{transform_indices = @transform_0, window_bounds = array<i64: 5, 256, 128>}, {transform_indices = @transform_1, window_bounds = array<i64: 256, 4>}, {transform_indices = @transform_2, window_bounds = array<i64: 256, 2>}, {pipeline_mode = #tpu.pipeline_mode<synchronous>, transform_indices = @transform_3, window_bounds = array<i64: 5, 64>}, {pipeline_mode = #tpu.pipeline_mode<synchronous>, transform_indices = @transform_4, window_bounds = array<i64: 1, 64>}, {pipeline_mode = #tpu.pipeline_mode<synchronous>, transform_indices = @transform_5, window_bounds = array<i64: 64, 128>}, {pipeline_mode = #tpu.pipeline_mode<synchronous>, transform_indices = @transform_6, window_bounds = array<i64: 1, 128>}, {pipeline_mode = #tpu.pipeline_mode<synchronous>, transform_indices = @transform_7, window_bounds = array<i64: 132, 64>}, {pipeline_mode = #tpu.pipeline_mode<synchronous>, transform_indices = @transform_8, window_bounds = array<i64: 1, 64>}, {pipeline_mode = #tpu.pipeline_mode<synchronous>, transform_indices = @transform_9, window_bounds = array<i64: 64, 128>}, {pipeline_mode = #tpu.pipeline_mode<synchronous>, transform_indices = @transform_10, window_bounds = array<i64: 1, 128>}, {pipeline_mode = #tpu.pipeline_mode<synchronous>, transform_indices = @transform_11, window_bounds = array<i64: 128, 64>}, {pipeline_mode = #tpu.pipeline_mode<synchronous>, transform_indices = @transform_12, window_bounds = array<i64: 1, 64>}, {pipeline_mode = #tpu.pipeline_mode<synchronous>, transform_indices = @transform_13, window_bounds = array<i64: 64, 4>}, {pipeline_mode = #tpu.pipeline_mode<synchronous>, transform_indices = @transform_14, window_bounds = array<i64: 1, 4>}, {transform_indices = @transform_15, window_bounds = array<i64: 256, 2>}]} {
    %get3A = arith.constant 0 : index
    %get3A_0 = arith.constant 0 : index
    %get3A_1 = arith.constant 0 : index
    %get3A_2 = vector.load %arg1[%get3A, %get3A_0, %get3A_1] : memref<5x256x128xf32, #tpu.memory_space<vmem>>, vector<5x256x128xf32>
    %reshape3A = vector.shape_cast %get3A_2 : vector<5x256x128xf32> to vector<5x32768xf32>
    %get3A_3 = arith.constant 0 : index
    %get3A_4 = arith.constant 0 : index
    %get3A_5 = arith.constant 0 : index
    %get3A_6 = vector.load %arg1[%get3A_3, %get3A_4, %get3A_5] : memref<5x256x128xf32, #tpu.memory_space<vmem>>, vector<1x256x128xf32>
    %get3A_7 = vector.shape_cast %get3A_6 : vector<1x256x128xf32> to vector<256x128xf32>
    %get3A_8 = arith.constant 1 : index
    %get3A_9 = arith.constant 0 : index
    %get3A_10 = arith.constant 0 : index
    %get3A_11 = vector.load %arg1[%get3A_8, %get3A_9, %get3A_10] : memref<5x256x128xf32, #tpu.memory_space<vmem>>, vector<1x256x128xf32>
    %get3A_12 = vector.shape_cast %get3A_11 : vector<1x256x128xf32> to vector<256x128xf32>
    %mul3A = arith.mulf %get3A_7, %get3A_7 : vector<256x128xf32>
    %add3A = arith.constant 9.99999997E-7 : f32
    %add3A_13 = vector.broadcast %add3A : f32 to vector<256x128xf32>
    %add3A_14 = arith.addf %mul3A, %add3A_13 : vector<256x128xf32>
    %mul3A_15 = arith.mulf %get3A_12, %get3A_12 : vector<256x128xf32>
    %add3A_16 = arith.constant 9.99999997E-7 : f32
    %add3A_17 = vector.broadcast %add3A_16 : f32 to vector<256x128xf32>
    %add3A_18 = arith.addf %mul3A_15, %add3A_17 : vector<256x128xf32>
    %add3A_19 = arith.addf %add3A_14, %add3A_18 : vector<256x128xf32>
    %bitcast_convert_type3A = tpu.bitcast %add3A_19 : vector<256x128xf32> -> vector<256x128xi32>
    %transpose3A = tpu.transpose %bitcast_convert_type3A, [1, 0] : vector<256x128xi32> -> vector<128x256xi32>
    %broadcast_in_dim3A = arith.constant 1.000000e+00 : f32
    %broadcast_in_dim3A_20 = vector.broadcast %broadcast_in_dim3A : f32 to vector<1x128xf32>
    %broadcast_in_dim3A_21 = arith.constant 897987176 : i32
    %broadcast_in_dim3A_22 = vector.broadcast %broadcast_in_dim3A_21 : i32 to vector<1x256xi32>
    %broadcast_in_dim3A_23 = arith.constant 1065353241 : i32
    %broadcast_in_dim3A_24 = vector.broadcast %broadcast_in_dim3A_23 : i32 to vector<1x256xi32>
    %scan3A = arith.constant 0 : i32
    %scan3A_25 = arith.constant 28 : i32
    %scan3A_26 = arith.addi %scan3A, %scan3A_25 : i32
    %scan3A_27 = arith.constant 1 : i32
    %scan3A_28:2 = scf.for %scan3A_155 = %scan3A to %scan3A_26 step %scan3A_27 iter_args(%scan3A_156 = %broadcast_in_dim3A_22, %scan3A_157 = %broadcast_in_dim3A_24) -> (vector<1x256xi32>, vector<1x256xi32>)  : i32 {
      %sub3A_158 = arith.subi %scan3A_157, %scan3A_156 : vector<1x256xi32>
      %shift_right_arithmetic3A = arith.constant 1 : i32
      %shift_right_arithmetic3A_159 = vector.broadcast %shift_right_arithmetic3A : i32 to vector<1x256xi32>
      %shift_right_arithmetic3A_160 = arith.shrsi %sub3A_158, %shift_right_arithmetic3A_159 : vector<1x256xi32>
      %add3A_161 = arith.addi %scan3A_156, %shift_right_arithmetic3A_160 : vector<1x256xi32>
      %le3A_162 = vector.broadcast %add3A_161 : vector<1x256xi32> to vector<128x256xi32>
      %le3A_163 = arith.cmpi sle, %transpose3A, %le3A_162 : vector<128x256xi32>
      %convert_element_type3A_164 = arith.extui %le3A_163 : vector<128x256xi1> to vector<128x256xi32>
      %convert_element_type3A_165 = arith.sitofp %convert_element_type3A_164 : vector<128x256xi32> to vector<128x256xf32>
      %dot_general3A_166 = arith.constant dense<0.000000e+00> : vector<1x256xf32>
      %dot_general3A_167 = tpu.matmul %broadcast_in_dim3A_20, %convert_element_type3A_165, %dot_general3A_166 {dimension_numbers = #tpu.dot_dimension_numbers<[1], [0], [0], [1], [0, 0, 1, 1], [], []>, transpose_lhs_hint = false} : vector<1x128xf32>, vector<128x256xf32>, vector<1x256xf32> -> vector<1x256xf32>
      %ge3A = arith.constant 6.400000e+01 : f32
      %ge3A_168 = vector.broadcast %ge3A : f32 to vector<1x256xf32>
      %ge3A_169 = arith.cmpf oge, %dot_general3A_167, %ge3A_168 : vector<1x256xf32>
      %add3A_170 = arith.constant 1 : i32
      %add3A_171 = vector.broadcast %add3A_170 : i32 to vector<1x256xi32>
      %add3A_172 = arith.addi %add3A_161, %add3A_171 : vector<1x256xi32>
      %select_n3A = arith.select %ge3A_169, %scan3A_156, %add3A_172 : vector<1x256xi1>, vector<1x256xi32>
      %select_n3A_173 = arith.select %ge3A_169, %add3A_161, %scan3A_157 : vector<1x256xi1>, vector<1x256xi32>
      scf.yield %select_n3A, %select_n3A_173 : vector<1x256xi32>, vector<1x256xi32>
    }
    %transpose3A_29 = tpu.transpose %scan3A_28#1, [1, 0] : vector<1x256xi32> -> vector<256x1xi32>
    %le3A = vector.broadcast %transpose3A_29 : vector<256x1xi32> to vector<256x128xi32>
    %le3A_30 = arith.cmpi sle, %bitcast_convert_type3A, %le3A : vector<256x128xi32>
    %mul3A_31 = arith.mulf %get3A_7, %get3A_7 : vector<256x128xf32>
    %mul3A_32 = arith.mulf %get3A_12, %get3A_12 : vector<256x128xf32>
    %add3A_33 = arith.addf %mul3A_31, %mul3A_32 : vector<256x128xf32>
    %sqrt3A = math.sqrt %add3A_33 : vector<256x128xf32>
    %lt3A = arith.constant 1.000000e+00 : f32
    %lt3A_34 = vector.broadcast %lt3A : f32 to vector<256x128xf32>
    %lt3A_35 = arith.cmpf olt, %sqrt3A, %lt3A_34 : vector<256x128xf32>
    %and3A = arith.andi %le3A_30, %lt3A_35 : vector<256x128xi1>
    %convert_element_type3A = arith.extui %and3A : vector<256x128xi1> to vector<256x128xi32>
    %convert_element_type3A_36 = arith.sitofp %convert_element_type3A : vector<256x128xi32> to vector<256x128xf32>
    %get3A_37 = arith.constant 0 : index
    %get3A_38 = arith.constant 0 : index
    %get3A_39 = vector.load %arg4[%get3A_37, %get3A_38] : memref<5x64xf32, #tpu.memory_space<vmem>>, vector<5x64xf32>
    %dot_general3A = arith.constant dense<0.000000e+00> : vector<32768x64xf32>
    %dot_general3A_40 = tpu.matmul %reshape3A, %get3A_39, %dot_general3A {dimension_numbers = #tpu.dot_dimension_numbers<[0], [0], [1], [1], [0, 1, 1, 1], [], []>, transpose_lhs_hint = false} : vector<5x32768xf32>, vector<5x64xf32>, vector<32768x64xf32> -> vector<32768x64xf32>
    %get3A_41 = arith.constant 0 : index
    %get3A_42 = arith.constant 0 : index
    %get3A_43 = vector.load %arg5[%get3A_41, %get3A_42] : memref<1x64xf32, #tpu.memory_space<vmem>>, vector<1x64xf32>
    %add3A_44 = vector.broadcast %get3A_43 : vector<1x64xf32> to vector<32768x64xf32>
    %add3A_45 = arith.addf %dot_general3A_40, %add3A_44 : vector<32768x64xf32>
    %max3A = arith.constant 0.000000e+00 : f32
    %max3A_46 = vector.broadcast %max3A : f32 to vector<32768x64xf32>
    %max3A_47 = arith.maximumf %add3A_45, %max3A_46 : vector<32768x64xf32>
    %get3A_48 = arith.constant 0 : index
    %get3A_49 = arith.constant 0 : index
    %get3A_50 = vector.load %arg6[%get3A_48, %get3A_49] : memref<64x128xf32, #tpu.memory_space<vmem>>, vector<64x128xf32>
    %dot_general3A_51 = arith.constant dense<0.000000e+00> : vector<32768x128xf32>
    %dot_general3A_52 = tpu.matmul %max3A_47, %get3A_50, %dot_general3A_51 {dimension_numbers = #tpu.dot_dimension_numbers<[1], [0], [0], [1], [0, 0, 1, 1], [], []>, transpose_lhs_hint = false} : vector<32768x64xf32>, vector<64x128xf32>, vector<32768x128xf32> -> vector<32768x128xf32>
    %get3A_53 = arith.constant 0 : index
    %get3A_54 = arith.constant 0 : index
    %get3A_55 = vector.load %arg7[%get3A_53, %get3A_54] : memref<1x128xf32, #tpu.memory_space<vmem>>, vector<1x128xf32>
    %add3A_56 = vector.broadcast %get3A_55 : vector<1x128xf32> to vector<32768x128xf32>
    %add3A_57 = arith.addf %dot_general3A_52, %add3A_56 : vector<32768x128xf32>
    %max3A_58 = arith.constant 0.000000e+00 : f32
    %max3A_59 = vector.broadcast %max3A_58 : f32 to vector<32768x128xf32>
    %max3A_60 = arith.maximumf %add3A_57, %max3A_59 : vector<32768x128xf32>
    %reshape3A_61 = vector.shape_cast %max3A_60 : vector<32768x128xf32> to vector<256x128x128xf32>
    %broadcast_in_dim3A_62 = vector.shape_cast %convert_element_type3A_36 : vector<256x128xf32> to vector<256x128x1xf32>
    %mul3A_63 = vector.broadcast %broadcast_in_dim3A_62 : vector<256x128x1xf32> to vector<256x128x128xf32>
    %mul3A_64 = arith.mulf %reshape3A_61, %mul3A_63 : vector<256x128x128xf32>
    %reduce_max3A = arith.constant dense<0xFF800000> : vector<256x128xf32>
    %reduce_max3A_65 = vector.multi_reduction <maximumf>, %mul3A_64, %reduce_max3A [1] : vector<256x128x128xf32> to vector<256x128xf32>
    %get3A_66 = arith.constant 0 : index
    %get3A_67 = arith.constant 0 : index
    %get3A_68 = vector.load %arg2[%get3A_66, %get3A_67] : memref<256x4xf32, #tpu.memory_space<vmem>>, vector<256x4xf32>
    %slice3A = vector.extract_strided_slice %get3A_68 {offsets = [0, 0], sizes = [256, 2], strides = [1, 1]} : vector<256x4xf32> to vector<256x2xf32>
    %get3A_69 = arith.constant 0 : index
    %get3A_70 = arith.constant 0 : index
    %get3A_71 = vector.load %arg3[%get3A_69, %get3A_70] : memref<256x2xf32, #tpu.memory_space<vmem>>, vector<256x2xf32>
    %sub3A = arith.subf %slice3A, %get3A_71 : vector<256x2xf32>
    %slice3A_72 = vector.extract_strided_slice %get3A_68 {offsets = [0, 2], sizes = [256, 2], strides = [1, 1]} : vector<256x4xf32> to vector<256x2xf32>
    %concatenate3A = tpu.concatenate %reduce_max3A_65, %sub3A, %slice3A_72 in 1 : vector<256x128xf32>, vector<256x2xf32>, vector<256x2xf32> -> vector<256x132xf32>
    %get3A_73 = arith.constant 0 : index
    %get3A_74 = arith.constant 0 : index
    %get3A_75 = vector.load %arg8[%get3A_73, %get3A_74] : memref<132x64xf32, #tpu.memory_space<vmem>>, vector<132x64xf32>
    %dot_general3A_76 = arith.constant dense<0.000000e+00> : vector<256x64xf32>
    %dot_general3A_77 = tpu.matmul %concatenate3A, %get3A_75, %dot_general3A_76 {dimension_numbers = #tpu.dot_dimension_numbers<[1], [0], [0], [1], [0, 0, 1, 1], [], []>, transpose_lhs_hint = false} : vector<256x132xf32>, vector<132x64xf32>, vector<256x64xf32> -> vector<256x64xf32>
    %get3A_78 = arith.constant 0 : index
    %get3A_79 = arith.constant 0 : index
    %get3A_80 = vector.load %arg9[%get3A_78, %get3A_79] : memref<1x64xf32, #tpu.memory_space<vmem>>, vector<1x64xf32>
    %add3A_81 = vector.broadcast %get3A_80 : vector<1x64xf32> to vector<256x64xf32>
    %add3A_82 = arith.addf %dot_general3A_77, %add3A_81 : vector<256x64xf32>
    %max3A_83 = arith.constant 0.000000e+00 : f32
    %max3A_84 = vector.broadcast %max3A_83 : f32 to vector<256x64xf32>
    %max3A_85 = arith.maximumf %add3A_82, %max3A_84 : vector<256x64xf32>
    %get3A_86 = arith.constant 0 : index
    %get3A_87 = arith.constant 0 : index
    %get3A_88 = vector.load %arg10[%get3A_86, %get3A_87] : memref<64x128xf32, #tpu.memory_space<vmem>>, vector<64x128xf32>
    %dot_general3A_89 = arith.constant dense<0.000000e+00> : vector<256x128xf32>
    %dot_general3A_90 = tpu.matmul %max3A_85, %get3A_88, %dot_general3A_89 {dimension_numbers = #tpu.dot_dimension_numbers<[1], [0], [0], [1], [0, 0, 1, 1], [], []>, transpose_lhs_hint = false} : vector<256x64xf32>, vector<64x128xf32>, vector<256x128xf32> -> vector<256x128xf32>
    %get3A_91 = arith.constant 0 : index
    %get3A_92 = arith.constant 0 : index
    %get3A_93 = vector.load %arg11[%get3A_91, %get3A_92] : memref<1x128xf32, #tpu.memory_space<vmem>>, vector<1x128xf32>
    %add3A_94 = vector.broadcast %get3A_93 : vector<1x128xf32> to vector<256x128xf32>
    %add3A_95 = arith.addf %dot_general3A_90, %add3A_94 : vector<256x128xf32>
    %max3A_96 = arith.constant 0.000000e+00 : f32
    %max3A_97 = vector.broadcast %max3A_96 : f32 to vector<256x128xf32>
    %max3A_98 = arith.maximumf %add3A_95, %max3A_97 : vector<256x128xf32>
    %get3A_99 = arith.constant 0 : index
    %get3A_100 = arith.constant 0 : index
    %get3A_101 = vector.load %arg12[%get3A_99, %get3A_100] : memref<128x64xf32, #tpu.memory_space<vmem>>, vector<128x64xf32>
    %dot_general3A_102 = arith.constant dense<0.000000e+00> : vector<256x64xf32>
    %dot_general3A_103 = tpu.matmul %max3A_98, %get3A_101, %dot_general3A_102 {dimension_numbers = #tpu.dot_dimension_numbers<[1], [0], [0], [1], [0, 0, 1, 1], [], []>, transpose_lhs_hint = false} : vector<256x128xf32>, vector<128x64xf32>, vector<256x64xf32> -> vector<256x64xf32>
    %get3A_104 = arith.constant 0 : index
    %get3A_105 = arith.constant 0 : index
    %get3A_106 = vector.load %arg13[%get3A_104, %get3A_105] : memref<1x64xf32, #tpu.memory_space<vmem>>, vector<1x64xf32>
    %add3A_107 = vector.broadcast %get3A_106 : vector<1x64xf32> to vector<256x64xf32>
    %add3A_108 = arith.addf %dot_general3A_103, %add3A_107 : vector<256x64xf32>
    %max3A_109 = arith.constant 0.000000e+00 : f32
    %max3A_110 = vector.broadcast %max3A_109 : f32 to vector<256x64xf32>
    %max3A_111 = arith.maximumf %add3A_108, %max3A_110 : vector<256x64xf32>
    %get3A_112 = arith.constant 0 : index
    %get3A_113 = arith.constant 0 : index
    %get3A_114 = vector.load %arg14[%get3A_112, %get3A_113] : memref<64x4xf32, #tpu.memory_space<vmem>>, vector<64x4xf32>
    %dot_general3A_115 = arith.constant dense<0.000000e+00> : vector<256x4xf32>
    %dot_general3A_116 = tpu.matmul %max3A_111, %get3A_114, %dot_general3A_115 {dimension_numbers = #tpu.dot_dimension_numbers<[1], [0], [0], [1], [0, 0, 1, 1], [], []>, transpose_lhs_hint = false} : vector<256x64xf32>, vector<64x4xf32>, vector<256x4xf32> -> vector<256x4xf32>
    %get3A_117 = arith.constant 0 : index
    %get3A_118 = arith.constant 0 : index
    %get3A_119 = vector.load %arg15[%get3A_117, %get3A_118] : memref<1x4xf32, #tpu.memory_space<vmem>>, vector<1x4xf32>
    %add3A_120 = vector.broadcast %get3A_119 : vector<1x4xf32> to vector<256x4xf32>
    %add3A_121 = arith.addf %dot_general3A_116, %add3A_120 : vector<256x4xf32>
    %logistic3A = arith.negf %add3A_121 : vector<256x4xf32>
    %logistic3A_122 = math.exp %logistic3A : vector<256x4xf32>
    %logistic3A_123 = arith.constant 1.000000e+00 : f32
    %logistic3A_124 = vector.broadcast %logistic3A_123 : f32 to vector<256x4xf32>
    %logistic3A_125 = arith.addf %logistic3A_124, %logistic3A_122 : vector<256x4xf32>
    %logistic3A_126 = arith.divf %logistic3A_124, %logistic3A_125 : vector<256x4xf32>
    %mul3A_127 = arith.constant 2.000000e+00 : f32
    %mul3A_128 = vector.broadcast %mul3A_127 : f32 to vector<256x4xf32>
    %mul3A_129 = arith.mulf %mul3A_128, %logistic3A_126 : vector<256x4xf32>
    %add3A_130 = arith.constant 2.000000e-01 : f32
    %add3A_131 = vector.broadcast %add3A_130 : f32 to vector<256x4xf32>
    %add3A_132 = arith.addf %mul3A_129, %add3A_131 : vector<256x4xf32>
    %slice3A_133 = vector.extract_strided_slice %add3A_132 {offsets = [0, 0], sizes = [256, 1], strides = [1, 1]} : vector<256x4xf32> to vector<256x1xf32>
    %slice3A_134 = vector.extract_strided_slice %sub3A {offsets = [0, 0], sizes = [256, 1], strides = [1, 1]} : vector<256x2xf32> to vector<256x1xf32>
    %mul3A_135 = arith.mulf %slice3A_133, %slice3A_134 : vector<256x1xf32>
    %slice3A_136 = vector.extract_strided_slice %add3A_132 {offsets = [0, 1], sizes = [256, 1], strides = [1, 1]} : vector<256x4xf32> to vector<256x1xf32>
    %slice3A_137 = vector.extract_strided_slice %get3A_68 {offsets = [0, 2], sizes = [256, 1], strides = [1, 1]} : vector<256x4xf32> to vector<256x1xf32>
    %mul3A_138 = arith.mulf %slice3A_136, %slice3A_137 : vector<256x1xf32>
    %add3A_139 = arith.addf %mul3A_135, %mul3A_138 : vector<256x1xf32>
    %neg3A = arith.constant 0.000000e+00 : f32
    %neg3A_140 = vector.broadcast %neg3A : f32 to vector<256x1xf32>
    %neg3A_141 = arith.subf %neg3A_140, %add3A_139 : vector<256x1xf32>
    %slice3A_142 = vector.extract_strided_slice %add3A_132 {offsets = [0, 2], sizes = [256, 1], strides = [1, 1]} : vector<256x4xf32> to vector<256x1xf32>
    %slice3A_143 = vector.extract_strided_slice %sub3A {offsets = [0, 1], sizes = [256, 1], strides = [1, 1]} : vector<256x2xf32> to vector<256x1xf32>
    %mul3A_144 = arith.mulf %slice3A_142, %slice3A_143 : vector<256x1xf32>
    %slice3A_145 = vector.extract_strided_slice %add3A_132 {offsets = [0, 3], sizes = [256, 1], strides = [1, 1]} : vector<256x4xf32> to vector<256x1xf32>
    %slice3A_146 = vector.extract_strided_slice %get3A_68 {offsets = [0, 3], sizes = [256, 1], strides = [1, 1]} : vector<256x4xf32> to vector<256x1xf32>
    %mul3A_147 = arith.mulf %slice3A_145, %slice3A_146 : vector<256x1xf32>
    %add3A_148 = arith.addf %mul3A_144, %mul3A_147 : vector<256x1xf32>
    %neg3A_149 = arith.constant 0.000000e+00 : f32
    %neg3A_150 = vector.broadcast %neg3A_149 : f32 to vector<256x1xf32>
    %neg3A_151 = arith.subf %neg3A_150, %add3A_148 : vector<256x1xf32>
    %concatenate3A_152 = tpu.concatenate %neg3A_141, %neg3A_151 in 1 : vector<256x1xf32>, vector<256x1xf32> -> vector<256x2xf32>
    %swap3A = arith.constant 0 : index
    %swap3A_153 = arith.constant 0 : index
    %swap3A_154 = vector.load %arg16[%swap3A, %swap3A_153] : memref<256x2xf32, #tpu.memory_space<vmem>>, vector<256x2xf32>
    tpu.vector_store %arg16[%swap3A, %swap3A_153], %concatenate3A_152 {strides = array<i32>} : memref<256x2xf32, #tpu.memory_space<vmem>>, vector<256x2xf32>,
    return
  }
  func.func @transform_0(%arg0: i32) -> (i32, i32, i32) {
    %c0_i32 = arith.constant 0 : i32
    %c0_i32_0 = arith.constant 0 : i32
    %c0_i32_1 = arith.constant 0 : i32
    return %c0_i32, %arg0, %c0_i32_0 : i32, i32, i32
  }
  func.func @transform_1(%arg0: i32) -> (i32, i32) {
    %c0_i32 = arith.constant 0 : i32
    %c0_i32_0 = arith.constant 0 : i32
    return %arg0, %c0_i32 : i32, i32
  }
  func.func @transform_2(%arg0: i32) -> (i32, i32) {
    %c0_i32 = arith.constant 0 : i32
    %c0_i32_0 = arith.constant 0 : i32
    return %arg0, %c0_i32 : i32, i32
  }
  func.func @transform_3(%arg0: i32) -> (i32, i32) {
    %c0_i32 = arith.constant 0 : i32
    %c0_i32_0 = arith.constant 0 : i32
    %c0_i32_1 = arith.constant 0 : i32
    return %c0_i32, %c0_i32_0 : i32, i32
  }
  func.func @transform_4(%arg0: i32) -> (i32, i32) {
    %c0_i32 = arith.constant 0 : i32
    %c0_i32_0 = arith.constant 0 : i32
    %c0_i32_1 = arith.constant 0 : i32
    return %c0_i32, %c0_i32_0 : i32, i32
  }
  func.func @transform_5(%arg0: i32) -> (i32, i32) {
    %c0_i32 = arith.constant 0 : i32
    %c0_i32_0 = arith.constant 0 : i32
    %c0_i32_1 = arith.constant 0 : i32
    return %c0_i32, %c0_i32_0 : i32, i32
  }
  func.func @transform_6(%arg0: i32) -> (i32, i32) {
    %c0_i32 = arith.constant 0 : i32
    %c0_i32_0 = arith.constant 0 : i32
    %c0_i32_1 = arith.constant 0 : i32
    return %c0_i32, %c0_i32_0 : i32, i32
  }
  func.func @transform_7(%arg0: i32) -> (i32, i32) {
    %c0_i32 = arith.constant 0 : i32
    %c0_i32_0 = arith.constant 0 : i32
    %c0_i32_1 = arith.constant 0 : i32
    return %c0_i32, %c0_i32_0 : i32, i32
  }
  func.func @transform_8(%arg0: i32) -> (i32, i32) {
    %c0_i32 = arith.constant 0 : i32
    %c0_i32_0 = arith.constant 0 : i32
    %c0_i32_1 = arith.constant 0 : i32
    return %c0_i32, %c0_i32_0 : i32, i32
  }
  func.func @transform_9(%arg0: i32) -> (i32, i32) {
    %c0_i32 = arith.constant 0 : i32
    %c0_i32_0 = arith.constant 0 : i32
    %c0_i32_1 = arith.constant 0 : i32
    return %c0_i32, %c0_i32_0 : i32, i32
  }
  func.func @transform_10(%arg0: i32) -> (i32, i32) {
    %c0_i32 = arith.constant 0 : i32
    %c0_i32_0 = arith.constant 0 : i32
    %c0_i32_1 = arith.constant 0 : i32
    return %c0_i32, %c0_i32_0 : i32, i32
  }
  func.func @transform_11(%arg0: i32) -> (i32, i32) {
    %c0_i32 = arith.constant 0 : i32
    %c0_i32_0 = arith.constant 0 : i32
    %c0_i32_1 = arith.constant 0 : i32
    return %c0_i32, %c0_i32_0 : i32, i32
  }
  func.func @transform_12(%arg0: i32) -> (i32, i32) {
    %c0_i32 = arith.constant 0 : i32
    %c0_i32_0 = arith.constant 0 : i32
    %c0_i32_1 = arith.constant 0 : i32
    return %c0_i32, %c0_i32_0 : i32, i32
  }
  func.func @transform_13(%arg0: i32) -> (i32, i32) {
    %c0_i32 = arith.constant 0 : i32
    %c0_i32_0 = arith.constant 0 : i32
    %c0_i32_1 = arith.constant 0 : i32
    return %c0_i32, %c0_i32_0 : i32, i32
  }
  func.func @transform_14(%arg0: i32) -> (i32, i32) {
    %c0_i32 = arith.constant 0 : i32
    %c0_i32_0 = arith.constant 0 : i32
    %c0_i32_1 = arith.constant 0 : i32
    return %c0_i32, %c0_i32_0 : i32, i32
  }
  func.func @transform_15(%arg0: i32) -> (i32, i32) {
    %c0_i32 = arith.constant 0 : i32
    %c0_i32_0 = arith.constant 0 : i32
    return %arg0, %c0_i32 : i32, i32
  }
}

</mosaic_0001>

<sc_bundles>
// kernel: kernel.4.cloned.1.call-start
scs
__scs_entry_jumppad:
0x0: {  	(pc) =	sbr.rel $0x88, $3  }
0x1: {  	(tag) =	ssettag $0x0;
	lr =	simm.s32 $0x1  }
0x2: {  	[smem:$0x3F93] =	sst lr;
	_ =	strace $0xD0000000  }
0x3: {  	_ = 	snop  }
0x4: {  	_ = 	snop  }
0x5: {  	_ = 	snop  }
0x6: {  	_ = 	snop  }
0x7: {  	_ = 	snop  }
__scs_overlays_trampoline_lowered:
0x8: {  	[smem:$0x3FA2] =	sst s0  }
0x9: {  	[smem:$0x3FA3] =	sst s1  }
0xa: {  	[smem:$0x3FA4] =	sst s2  }
0xb: {  	[smem:$0x3FA5] =	sst s3  }
0xc: {  	[smem:$0x3FA6] =	sst s4  }
0xd: {  	[smem:$0x3FA7] =	sst s5  }
0xe: {  	[smem:$0x3FA8] =	sst s6  }
0xf: {  	[smem:$0x3FA9] =	sst s7  }
0x10: {  	[smem:$0x3FAA] =	sst s8  }
0x11: {  	[smem:$0x3FAB] =	sst s9;
	s0 =	simm.s32 @!p0 $0x0  }
0x12: {  	s1 =	sld [smem:$0x3F91];
	s0 =	simm.s32 @p0 $0x1  }
0x13: {  	[smem:$0x3FAC] =	sst s0;
	s0 =	simm.s32 @!p1 $0x0  }
0x14: {  	s2 =	sld [smem:$0x3F90];
	s0 =	simm.s32 @p1 $0x1  }
0x15: {  	[smem:$0x3FAD] =	sst s0;
	s0 =	simm.s32 @!p2 $0x0  }
0x16: {  	s3 =	sld [smem:$0x3FDB];
	s0 =	simm.s32 @p2 $0x1  }
0x17: {  	s4 =	simm.s32 $0x1BF5;
	[smem:$0x3FAF] =	sst s0  }
0x18: {  	s0 =	sld [smem:$0x3F92];
	_ =	swait.ge [sflag:s4], $0x0  }
0x19: {  	s7 =	sld [smem:$0x3F93]  }
0x1a: {  	s8 =	sadd.s32 $0xFFFFE003, lr  }
0x1b: {  	s9 =	sadd.s32 $0xFFFFFEF7, lr;
	s5 =	simm.s32 $0xFFFFFFFF;
	p2 =	slt.u32 s8, $0xFFFFF086  }
0x1c: {  	p1 =	slt.u32 s9, $0xF7A;
	s5 =	simm.s32 @!p2 $0x0  }
0x1d: {  	s5 =	simm.s32 @p1 $0x1;
	p0 =	seq.s32 s7, s2  }
0x1e: {  	s7 =	smul.u32 @!p0 $0xF7A, s2;
	p2 =	seq.s32 @!p0 s5, $0x0  }
0x1f: {  	s9 =	smul.u32 $0xF7A, s1;
	s8 =	simm.s32 @!p0 $0x1BF5;
	p2 =	por !p2, p0  }
0x20: {  	[sflag:s8] =	ssyncset.s32 @!p0 $0xFFFFF086;
	s6 =	sadd.s32 @!p0 s3, s7;
	s7 =	simm.s32 @!p0 $0x108  }
0x21: {  	s3 =	sadd.s32 s3, s9;
	s6 =	sadd.s32 @!p0 $0x88, s6;
	s7 =	simm.s32 @p2 $0x1082  }
0x22: {  	[simem:s7], [sflag:s8] =	dma.local @!p0 [hbm:s6], $0xF7A  }
0x23: {  	s9 =	sor.u32 $0xD0000000, s2;
	s6 =	simm.s32 $0x108;
	_ =	swait.ge @!p0 [sflag:s8], $0x0  }
0x24: {  	s3 =	sadd.s32 $0x88, s3;
	s6 =	simm.s32 @!p1 $0x1082;
	[sflag:s4] =	ssyncset.s32 $0xFFFFF086  }
0x25: {  	[simem:s6], [sflag:s4] =	dma.local [hbm:s3], $0xF7A  }
0x26: {  	[smem:$0x3F93] =	sst s1;
	(tag) =	ssettag s2;
	_ =	strace s9  }
0x27: {  	s1 =	sld [smem:$0x3FA3]  }
0x28: {  	s2 =	sld [smem:$0x3FA4]  }
0x29: {  	s4 =	sld [smem:$0x3FA6]  }
0x2a: {  	p0 =	seq.s32 s5, $0x0;
	s5 =	sld [smem:$0x3FA7]  }
0x2b: {  	s6 =	sld [smem:$0x3FA8]  }
0x2c: {  	s7 =	sld [smem:$0x3FA9]  }
0x2d: {  	s3 =	simm.s32 $0x108;
	s8 =	sld [smem:$0x3FAA]  }
0x2e: {  	s3 =	simm.s32 @!p0 $0x1082;
	s9 =	sld [smem:$0x3FAB]  }
0x2f: {  	lr =	sadd.s32 s0, s3;
	s0 =	sld [smem:$0x3FA2]  }
0x30: {  	s3 =	sld [smem:$0x3FA5]  }
0x31: {  	[smem:$0x3FAE] =	sst s10  }
0x32: {  	s10 =	sld [smem:$0x3FAC];
	_ =	sdelay $0x3  }
0x33: {  	p0 =	seq.s32 s10, $0x1;
	s10 =	sld [smem:$0x3FAE];
	_ =	sdelay $0x3  }
0x34: {  	[smem:$0x3FAE] =	sst s10  }
0x35: {  	s10 =	sld [smem:$0x3FAD];
	_ =	sdelay $0x3  }
0x36: {  	p1 =	seq.s32 s10, $0x1;
	s10 =	sld [smem:$0x3FAE];
	_ =	sdelay $0x3  }
0x37: {  	[smem:$0x3FAE] =	sst s10  }
0x38: {  	s10 =	sld [smem:$0x3FAF]  }
0x39: {  	_ = 	snop;
	(pc) =	sbr.ind lr, $3  }
0x3a: {  	_ = 	snop  }
0x3b: {  	_ = 	snop  }
0x3c: {  	p2 =	seq.s32 s10, $0x1;
	s10 =	sld [smem:$0x3FAE]  }
0x3d: {  	_ =	shalt  }
0x3e: {  	_ =	shalt  }
0x3f: {  	_ =	shalt  }
0x40: {  	_ =	shalt  }
0x41: {  	_ =	shalt  }
0x42: {  	_ =	shalt  }
0x43: {  	_ =	shalt  }
0x44: {  	_ =	shalt  }
0x45: {  	_ =	shalt  }
0x46: {  	_ =	shalt  }
0x47: {  	_ =	shalt  }
0x48: {  	_ =	shalt  }
0x49: {  	_ =	shalt  }
0x4a: {  	_ =	shalt  }
0x4b: {  	_ =	shalt  }
0x4c: {  	_ =	shalt  }
0x4d: {  	_ =	shalt  }
0x4e: {  	_ =	shalt  }
0x4f: {  	_ =	shalt  }
0x50: {  	_ =	shalt  }
0x51: {  	_ =	shalt  }
0x52: {  	_ =	shalt  }
0x53: {  	_ =	shalt  }
0x54: {  	_ =	shalt  }
0x55: {  	_ =	shalt  }
0x56: {  	_ =	shalt  }
0x57: {  	_ =	shalt  }
0x58: {  	_ =	shalt  }
0x59: {  	_ =	shalt  }
0x5a: {  	_ =	shalt  }
0x5b: {  	_ =	shalt  }
0x5c: {  	_ =	shalt  }
0x5d: {  	_ =	shalt  }
0x5e: {  	_ =	shalt  }
0x5f: {  	_ =	shalt  }
0x60: {  	_ =	shalt  }
0x61: {  	_ =	shalt  }
0x62: {  	_ =	shalt  }
0x63: {  	_ =	shalt  }
0x64: {  	_ =	shalt  }
0x65: {  	_ =	shalt  }
0x66: {  	_ =	shalt  }
0x67: {  	_ =	shalt  }
0x68: {  	_ =	shalt  }
0x69: {  	_ =	shalt  }
0x6a: {  	_ =	shalt  }
0x6b: {  	_ =	shalt  }
0x6c: {  	_ =	shalt  }
0x6d: {  	_ =	shalt  }
0x6e: {  	_ =	shalt  }
0x6f: {  	_ =	shalt  }
0x70: {  	_ =	shalt  }
0x71: {  	_ =	shalt  }
0x72: {  	_ =	shalt  }
0x73: {  	_ =	shalt  }
0x74: {  	_ =	shalt  }
0x75: {  	_ =	shalt  }
0x76: {  	_ =	shalt  }
0x77: {  	_ =	shalt  }
0x78: {  	_ =	shalt  }
0x79: {  	_ =	shalt  }
0x7a: {  	_ =	shalt  }
0x7b: {  	_ =	shalt  }
0x7c: {  	_ =	shalt  }
0x7d: {  	_ =	shalt  }
0x7e: {  	_ =	shalt  }
0x7f: {  	_ =	shalt  }
0x80: {  	_ =	shalt  }
0x81: {  	_ =	shalt  }
0x82: {  	_ =	shalt  }
0x83: {  	_ =	shalt  }
0x84: {  	_ =	shalt  }
0x85: {  	_ =	shalt  }
0x86: {  	_ =	shalt  }
0x87: {  	_ =	shalt  }
.Lfunc_end0:
.L_simem_size_0:
called_computation_lowered:
.L_overlay_start_0:
0x88: {  	s2 =	sld [smem:$0x3FD9]  }
0x89: {  	s3 =	sld [smem:$0x3FFE];
	_ =	sdelay $0x1  }
0x8a: {  	s1 =	srdreg.scid  }
0x8b: {  	s0 =	sand.u32 $0x1, s1  }
0x8c: {  	s17 =	sshll.u32 s0, $0xA;
	s2 =	sadd.s32 s3, s2  }
0x8d: {  	s2 =	sadd.s32 s2, s17  }
0x8e: {  	[smem:$0x3FBA] =	sst s2  }
0x8f: {  	_ = 	snop  }
0x90: {  	s2 =	sld [smem:$0x3FC9];
	(tm) =	ssettm $0x1  }
0x91: {  	s18 =	sld [smem:$0x3FFB];
	_ =	sdelay $0x3  }
0x92: {  	_ =	strace s18  }
0x93: {  	s3 =	sld [smem:$0x3FFC];
	_ =	sdelay $0x3  }
0x94: {  	_ =	strace s3  }
0x95: {  	s3 =	sld [smem:$0x3FFD];
	_ =	sdelay $0x3  }
0x96: {  	_ =	strace s3  }
0x97: {  	_ =	strace $0x8FFFFFFF  }
0x98: {  	s19 =	sld [smem:$0x3FDB];
	_ =	sdelay $0x1  }
0x99: {  	s4 =	simm.s32 $_scs_section_size  }
0x9a: {  	s5 =	simm.s32 $_size__tile_overlayer_lowered;
	s6 =	simm.s32 $_tile_overlayer_lowered  }
0x9b: {  	s22 =	simm.s32 $0x1BFF;
	s21 =	sshll.u32 s6, $0x1;
	s3 =	sadd.s32 s4, s19  }
0x9c: {  	s7 =	simm.s32 $0x0;
	s20 =	sshll.u32 s5, $0x1;
	s5 =	sadd.s32 s21, s3  }
0x9d: {  	[timem:s7], [sflag:s22] =	dma.local [hbm:s5], s20  }
0x9e: {  	_ =	swait.ge [sflag:s22], s20  }
0x9f: {  	s4 =	ssub.s32 $0x0, s20;
	[sflag:s22] =	ssyncset.done $0x0  }
0xa0: {  	[sflag:s22] =	ssyncadd.s32 s4;
	_ =	sdelay $0x1  }
0xa1: {  	s23 =	simm.s32 $0x1B8B  }
0xa2: {  	_ =	swait.ge [sflag:s23], $0x1  }
0xa3: {  	[sflag:s23] =	ssyncset.done $0x0  }
0xa4: {  	s25 =	simm.s32 $0x1B8E;
	s24 =	sld [smem:$0x3FFE];
	[sflag:s23] =	ssyncadd.s32 $0xFFFFFFFF  }
0xa5: {  	s26 =	simm.s32 $execute0_lowered;
	[smem:$0x3FD2] =	sst s25  }
0xa6: {  	s5 =	sshll.u32 s26, $0x1;
	_ =	strace $0x80000046;
	[dreg:$0x1] =	wrdreg $0xFFFFFFFF  }
0xa7: {  	s28 =	simm.s32 $_size_execute0_lowered;
	s3 =	sadd.s32 s3, s5;
	[dreg:$0x0] =	wrdreg $0x0  }
0xa8: {  	s5 =	sshll.u32 s28, $0x1;
	[dreg:$0x2] =	wrdreg s3  }
0xa9: {  	[dreg:$0x3] =	wrdreg s5  }
0xaa: {  	[dreg:$0x4] =	wrdreg $0xC0  }
0xab: {  	_ =	task [dreg:s7], $0x5FFFF  }
0xac: {  	[dreg:$0x1] =	wrdreg $0xFFFFFFFF  }
0xad: {  	[dreg:$0x0] =	wrdreg $0x60  }
0xae: {  	[dreg:$0x2] =	wrdreg s2  }
0xaf: {  	[dreg:$0x3] =	wrdreg s24  }
0xb0: {  	[dreg:$0x4] =	wrdreg $0x9  }
0xb1: {  	_ =	task.clear_ibuf [dreg:s7], $0x5FFFF;
	_ =	strace $0x90000046  }
0xb2: {  	s29 =	simm.s32 $0x9;
	_ =	strace $0x80000048  }
0xb3: {  	_ =	swait.ge [sflag:s29], $0x1  }
0xb4: {  	[sflag:s29] =	ssyncadd.s32 $0xFFFFFFFF  }
0xb5: {  	_ =	strace $0x90000048  }
0xb6: {  	_ =	sfence  }
0xb7: {  	s30 =	sld [smem:$0x0];
	_ =	sdelay $0x2  }
0xb8: {  	s31 =	sshll.u32 s1, $0xD;
	s1 =	sshrl.u32 s1, $0x2  }
0xb9: {  	s3 =	sand.u32 $0x4000, s31;
	s1 =	sadd.s32 s1, s30  }
0xba: {  	s0 =	sor.u32 s3, s0;
	s1 =	sshll.u32 s1, $0x11  }
0xbb: {  	s0 =	sor.u32 s1, s0  }
0xbc: {  	s0 =	sadd.s32 $0x8F2B, s0  }
0xbd: {  	[sflag:s0] =	ssyncadd.remote.s32 $0x1  }
0xbe: {  	_ =	sfence.sel $0xFFFF  }
0xbf: {  	[dreg:$0x0] =	wrdreg $0xFFFFFFFF;
	(pc) =	sbr.abs _section_cstart, $3  }
0xc0: {  	[dreg:$0x1] =	wrdreg $0xFFFFFFFF  }
0xc1: {  	_ =	task.clear_ibuf [dreg:s7], $0x2FFFF;
	_ =	strace $0x9FFFFFFF  }
0xc2: {  	(tm) =	ssettm $0x7FFFFFFF  }
0xc3: {  	_ =	shalt  }
tec
execute0_lowered:
.L_overlay_start_1:
0x0: {  	(tag) =	ssettag $0x1  }
0x1: {  	s6 =	rddreg [dreg:$0x0];
	s0 =	srdreg.scid  }
0x2: {  	s1 =	rddreg [dreg:$0x1];
	s2 =	stileid.u32  }
0x3: {  	s3 =	simm.s32 $0x0;
	s16 =	simm.s32 $0x1;
	s17 =	simm.s32 $0x800  }
0x4: {  	s0 =	sand.u32 $0x1, s0;
	s2 =	sshll.u32 s2, $0x7;
	[smem:$0x7FF] =	sst s3  }
0x5: {  	s24 =	sadd.s32 $0x10, s6;
	s25 =	sadd.s32 $0x20, s6;
	s26 =	sadd.s32 $0x30, s6  }
0x6: {  	s4 =	sshll.u32 s0, $0x6;
	s0 =	ssub.s32 $0x2, s0;
	_ =	strace $0x80000047  }
0x7: {  	[dreg:$0x3] =	wrdreg s24;
	s4 =	sor.u32 s4, s2;
	s5 =	sshrl.u32 s0, $0x1  }
0x8: {  	[dreg:$0x4] =	wrdreg s25;
	s2 =	sshll.u32 s4, $0x4;
	s0 =	ssub.s32 s0, s5  }
0x9: {  	[dreg:$0x5] =	wrdreg s26;
	s1 =	sadd.s32 s2, s1;
	s0 =	smax.u32 s0, $0x1  }
0xa: {  	s18 =	simm.s32 $0x1000;
	s28 =	sadd.s32 $0x2200, s1;
	[dreg:$0xb] =	wrdreg s0  }
.Ltmp0:
0xb: {  	s29 =	sadd.s32 $0xA200, s1;
	[dreg:$0x6] =	wrdreg s28;
	(pc) =	sbr.rel .LBB2_1-.Ltmp0, $4  }
0xc: {  	s19 =	simm.s32 $0x1800;
	s30 =	sadd.s32 $0x12200, s1;
	[dreg:$0x7] =	wrdreg s29  }
0xd: {  	s20 =	simm.s32 $0x2000;
	s31 =	sadd.s32 $0x1A200, s1;
	[dreg:$0x8] =	wrdreg s30  }
0xe: {  	s21 =	simm.s32 $0x2800;
	s1 =	sadd.s32 $0x22200, s1;
	[dreg:$0x9] =	wrdreg s31  }
0xf: {  	s22 =	simm.s32 $0x3000;
	v0 =	vimm.s32 $0x0;
	v1 =	vlaneseq.u32;
	v2 =	vimm.f32 $0.0e+00;
	[dreg:$0xa] =	wrdreg s1;
	s1 =	simm.s32 $0x0  }
.LBB2_17:
0x10: {  	s0 =	rddreg [dreg:$0x6];
	s1 =	simm.s32 $0x3080  }
0x11: {  	[hbm4b:s0+s3] =	stream.linear.scatter [tilespmem:s1], [sflag:$0x1], $0x2000, $0x38;
	[tilespmem:$0xD080] =	vst v63  }
0x12: {  	_ =	swait.ge [sflag:s16], $0x2000  }
0x13: {  	[sflag:s16] =	ssyncset.done $0x0  }
0x14: {  	s15 =	simm.s32 $0x5080;
	s14 =	rddreg [dreg:$0x7];
	[sflag:s16] =	ssyncadd.s32 $0xFFFFE000  }
0x15: {  	[hbm4b:s14+s3] =	stream.linear.scatter [tilespmem:s15], [sflag:$0x1], $0x2000, $0x38;
	[tilespmem:$0xD080] =	vst v63  }
0x16: {  	_ =	swait.ge [sflag:s16], $0x2000  }
0x17: {  	[sflag:s16] =	ssyncset.done $0x0  }
0x18: {  	s24 =	simm.s32 $0x7080;
	s23 =	rddreg [dreg:$0x8];
	[sflag:s16] =	ssyncadd.s32 $0xFFFFE000  }
0x19: {  	[hbm4b:s23+s3] =	stream.linear.scatter [tilespmem:s24], [sflag:$0x1], $0x2000, $0x38;
	[tilespmem:$0xD080] =	vst v63  }
0x1a: {  	_ =	swait.ge [sflag:s16], $0x2000  }
0x1b: {  	[sflag:s16] =	ssyncset.done $0x0  }
0x1c: {  	s26 =	simm.s32 $0x9080;
	s25 =	rddreg [dreg:$0x9];
	[sflag:s16] =	ssyncadd.s32 $0xFFFFE000  }
0x1d: {  	[hbm4b:s25+s3] =	stream.linear.scatter [tilespmem:s26], [sflag:$0x1], $0x2000, $0x38;
	[tilespmem:$0xD080] =	vst v63  }
0x1e: {  	_ =	swait.ge [sflag:s16], $0x2000  }
0x1f: {  	[sflag:s16] =	ssyncset.done $0x0  }
0x20: {  	s29 =	simm.s32 $0xB080;
	s28 =	rddreg [dreg:$0xa];
	[sflag:s16] =	ssyncadd.s32 $0xFFFFE000  }
0x21: {  	[hbm4b:s28+s3] =	stream.linear.scatter [tilespmem:s29], [sflag:$0x1], $0x2000, $0x38;
	[tilespmem:$0xD080] =	vst v63  }
0x22: {  	_ =	swait.ge [sflag:s16], $0x2000  }
0x23: {  	s30 =	rddreg [dreg:$0xc]  }
0x24: {  	s31 =	rddreg [dreg:$0xb];
	s1 =	sadd.s32 $0x1, s30  }
0x25: {  	p0 =	sne.s32 s1, s31  }
.Ltmp1:
0x26: {  	_ = 	snop;
	(pc) =	sbr.rel @!p0 .LBB2_18-.Ltmp1, $3  }
0x27: {  	_ =	sdelay $0x1  }
0x28: {  	[sflag:s16] =	ssyncset.done $0x0  }
0x29: {  	[sflag:s16] =	ssyncadd.s32 $0xFFFFE000  }
.LBB2_1:
0x2a: {  	[dreg:$0xc] =	wrdreg s1  }
0x2b: {  	s0 =	rddreg [dreg:$0x0];
	s26 =	simm.s32 $0x80;
	s2 =	simm.s32 $0x200  }
0x2c: {  	[tilespmem:s3], [sflag:$0x1] =	stream.strided.gather [hbm4b:s0+s26], $0x800, s2, s26, $0x38;
	[tilespmem:$0xD080] =	vst v63  }
0x2d: {  	_ =	swait.ge [sflag:s16], $0x800  }
0x2e: {  	[sflag:s16] =	ssyncset.done $0x0  }
0x2f: {  	s28 =	rddreg [dreg:$0x3];
	[sflag:s16] =	ssyncadd.s32 $0xFFFFF800  }
0x30: {  	[tilespmem:s17], [sflag:$0x1] =	stream.strided.gather [hbm4b:s28+s26], $0x800, s2, s26, $0x38;
	[tilespmem:$0xD080] =	vst v63  }
0x31: {  	_ =	swait.ge [sflag:s16], $0x800  }
0x32: {  	[sflag:s16] =	ssyncset.done $0x0  }
0x33: {  	s29 =	rddreg [dreg:$0x4];
	[sflag:s16] =	ssyncadd.s32 $0xFFFFF800  }
0x34: {  	[tilespmem:s18], [sflag:$0x1] =	stream.strided.gather [hbm4b:s29+s26], $0x800, s2, s26, $0x38;
	[tilespmem:$0xD080] =	vst v63  }
0x35: {  	_ =	swait.ge [sflag:s16], $0x800  }
0x36: {  	[sflag:s16] =	ssyncset.done $0x0  }
.Ltmp2:
0x37: {  	s31 =	rddreg [dreg:$0x5];
	[sflag:s16] =	ssyncadd.s32 $0xFFFFF800;
	(pc) =	sbr.rel .LBB2_2-.Ltmp2, $4  }
0x38: {  	[tilespmem:s19], [sflag:$0x1] =	stream.strided.gather [hbm4b:s31+s26], $0x800, s2, s26, $0x38;
	[tilespmem:$0xD080] =	vst v63  }
0x39: {  	_ =	swait.ge [sflag:s16], $0x800  }
0x3a: {  	[sflag:s16] =	ssyncset.done $0x0  }
0x3b: {  	s30 =	simm.s32 $0x0;
	[sflag:s16] =	ssyncadd.s32 $0xFFFFF800  }
.LBB2_16:
0x3c: {  	v8 =	vxor.u32 $0x80000000, v10  }
0x3d: {  	(xrf0) =	vmax.scan.msk.u32 $0xffff, v8;
	_ =	sdelay $0x5  }
0x3e: {  	v8, _, _ =	vpop (xrf0)  }
0x3f: {  	(v2sf) =	vpush v8, $0xF;
	_ =	sdelay $0xe  }
0x40: {  	s0 =	spop (v2sf)  }
0x41: {  	v9 =	vld [tilespmem:$0x3000];
	s0 =	sxor.u32 $0x80000000, s0  }
0x42: {  	p0 =	slt.s32 s0, $0x80  }
0x43: {  	s0 =	simm.s32 @!p0 $0x80  }
0x44: {  	v8 =	vmov s0  }
0x45: {  	vm0 =	vgt.s32 v8, v1  }
0x46: {  	v9 =	vsel vm0, v9, v3;
	_ =	sdelay $0x4  }
0x47: {  	v36 =	vld.idx.msk [tilespmem:v9+s3+$0x0], $0xffff  }
0x48: {  	v11 =	vld.idx.msk [tilespmem:v9+s17+$0x0], $0xffff  }
0x49: {  	v12 =	vld.idx.msk [tilespmem:v9+s18+$0x0], $0xffff  }
0x4a: {  	v13 =	vld.idx.msk [tilespmem:v9+s19+$0x0], $0xffff;
	_ =	sdelay $0x1  }
0x4b: {  	v10 =	vsub.f32 v4, v36  }
0x4c: {  	s31 =	sshll.u32 s30, $0x7;
	v11 =	vsub.f32 v5, v11  }
0x4d: {  	s0 =	sand.u32 $0x3FFFFF80, s31;
	v12 =	vsub.f32 v6, v12;
	v10 =	vnsel vm0, $0x4E6E6B28, v10  }
0x4e: {  	v38 =	vsub.f32 v7, v13;
	v37 =	vnsel vm0, $0x4E6E6B28, v11;
	[tilespmem:s0+$0x3080] =	vst v10  }
0x4f: {  	vm1 =	veq.s32 v9, v3;
	v39 =	vnsel vm0, $0x0, v12;
	[tilespmem:s0+$0x5080] =	vst v37  }
0x50: {  	v40 =	vnsel vm0, $0x0, v38;
	vm0 =	vmand vm0, vm1;
	[tilespmem:s0+$0x7080] =	vst v39  }
0x51: {  	[tilespmem:s0+$0x9080] =	vst v40;
	v41 =	vsel vm0, $0x3F800000, v2  }
0x52: {  	[tilespmem:s0+$0xB080] =	vst v41  }
0x53: {  	v9 =	vld [tilespmem:$0x3010];
	_ =	sdelay $0x2  }
0x54: {  	v42 =	vor.u32 $0x10, v1  }
0x55: {  	vm14 =	vgt.s32 v8, v42  }
0x56: {  	v9 =	vsel vm14, v9, v3;
	_ =	sdelay $0x4  }
0x57: {  	v43 =	vld.idx.msk [tilespmem:v9+s3+$0x0], $0xffff  }
0x58: {  	v44 =	vld.idx.msk [tilespmem:v9+s17+$0x0], $0xffff  }
0x59: {  	v45 =	vld.idx.msk [tilespmem:v9+s18+$0x0], $0xffff  }
0x5a: {  	v46 =	vld.idx.msk [tilespmem:v9+s19+$0x0], $0xffff  }
0x5b: {  	vm15 =	veq.s32 v9, v3  }
0x5c: {  	vm0 =	vmand vm14, vm15;
	v10 =	vsub.f32 v4, v43  }
0x5d: {  	v51 =	vsel vm0, $0x3F800000, v2;
	v11 =	vsub.f32 v5, v44  }
0x5e: {  	[tilespmem:s0+$0xB090] =	vst v51;
	v12 =	vsub.f32 v6, v45;
	v10 =	vnsel vm14, $0x4E6E6B28, v10  }
0x5f: {  	v48 =	vsub.f32 v7, v46;
	v47 =	vnsel vm14, $0x4E6E6B28, v11;
	[tilespmem:s0+$0x3090] =	vst v10  }
0x60: {  	v49 =	vnsel vm14, $0x0, v12;
	[tilespmem:s0+$0x5090] =	vst v47  }
0x61: {  	v50 =	vnsel vm14, $0x0, v48;
	[tilespmem:s0+$0x7090] =	vst v49  }
0x62: {  	[tilespmem:s0+$0x9090] =	vst v50  }
0x63: {  	v9 =	vld [tilespmem:$0x3020];
	_ =	sdelay $0x2  }
0x64: {  	v52 =	vor.u32 $0x20, v1  }
0x65: {  	vm4 =	vgt.s32 v8, v52  }
0x66: {  	v9 =	vsel vm4, v9, v3;
	_ =	sdelay $0x4  }
0x67: {  	v53 =	vld.idx.msk [tilespmem:v9+s3+$0x0], $0xffff  }
0x68: {  	v54 =	vld.idx.msk [tilespmem:v9+s17+$0x0], $0xffff  }
0x69: {  	v55 =	vld.idx.msk [tilespmem:v9+s18+$0x0], $0xffff  }
0x6a: {  	v56 =	vld.idx.msk [tilespmem:v9+s19+$0x0], $0xffff  }
0x6b: {  	vm5 =	veq.s32 v9, v3  }
0x6c: {  	vm0 =	vmand vm4, vm5;
	v10 =	vsub.f32 v4, v53  }
0x6d: {  	v61 =	vsel vm0, $0x3F800000, v2;
	v11 =	vsub.f32 v5, v54  }
0x6e: {  	[tilespmem:s0+$0xB0A0] =	vst v61;
	v12 =	vsub.f32 v6, v55;
	v10 =	vnsel vm4, $0x4E6E6B28, v10  }
0x6f: {  	v58 =	vsub.f32 v7, v56;
	v57 =	vnsel vm4, $0x4E6E6B28, v11;
	[tilespmem:s0+$0x30A0] =	vst v10  }
0x70: {  	v59 =	vnsel vm4, $0x0, v12;
	[tilespmem:s0+$0x50A0] =	vst v57  }
0x71: {  	v60 =	vnsel vm4, $0x0, v58;
	[tilespmem:s0+$0x70A0] =	vst v59  }
0x72: {  	[tilespmem:s0+$0x90A0] =	vst v60  }
0x73: {  	v9 =	vld [tilespmem:$0x3030];
	_ =	sdelay $0x2  }
0x74: {  	v62 =	vor.u32 $0x30, v1  }
0x75: {  	vm6 =	vgt.s32 v8, v62  }
0x76: {  	v9 =	vsel vm6, v9, v3;
	_ =	sdelay $0x4  }
0x77: {  	v63 =	vld.idx.msk [tilespmem:v9+s3+$0x0], $0xffff  }
0x78: {  	v16 =	vld.idx.msk [tilespmem:v9+s17+$0x0], $0xffff  }
0x79: {  	v17 =	vld.idx.msk [tilespmem:v9+s18+$0x0], $0xffff  }
0x7a: {  	v18 =	vld.idx.msk [tilespmem:v9+s19+$0x0], $0xffff  }
0x7b: {  	vm7 =	veq.s32 v9, v3  }
0x7c: {  	vm0 =	vmand vm6, vm7;
	v10 =	vsub.f32 v4, v63  }
0x7d: {  	v23 =	vsel vm0, $0x3F800000, v2;
	v11 =	vsub.f32 v5, v16  }
0x7e: {  	[tilespmem:s0+$0xB0B0] =	vst v23;
	v12 =	vsub.f32 v6, v17;
	v10 =	vnsel vm6, $0x4E6E6B28, v10  }
0x7f: {  	v20 =	vsub.f32 v7, v18;
	v19 =	vnsel vm6, $0x4E6E6B28, v11;
	[tilespmem:s0+$0x30B0] =	vst v10  }
0x80: {  	v21 =	vnsel vm6, $0x0, v12;
	[tilespmem:s0+$0x50B0] =	vst v19  }
0x81: {  	v22 =	vnsel vm6, $0x0, v20;
	[tilespmem:s0+$0x70B0] =	vst v21  }
0x82: {  	[tilespmem:s0+$0x90B0] =	vst v22  }
0x83: {  	v9 =	vld [tilespmem:$0x3040];
	_ =	sdelay $0x2  }
0x84: {  	v24 =	vor.u32 $0x40, v1  }
0x85: {  	vm8 =	vgt.s32 v8, v24  }
0x86: {  	v9 =	vsel vm8, v9, v3;
	_ =	sdelay $0x4  }
0x87: {  	v25 =	vld.idx.msk [tilespmem:v9+s3+$0x0], $0xffff  }
0x88: {  	v26 =	vld.idx.msk [tilespmem:v9+s17+$0x0], $0xffff  }
0x89: {  	v27 =	vld.idx.msk [tilespmem:v9+s18+$0x0], $0xffff  }
0x8a: {  	v28 =	vld.idx.msk [tilespmem:v9+s19+$0x0], $0xffff  }
0x8b: {  	vm9 =	veq.s32 v9, v3  }
0x8c: {  	vm0 =	vmand vm8, vm9;
	v10 =	vsub.f32 v4, v25  }
0x8d: {  	v33 =	vsel vm0, $0x3F800000, v2;
	v11 =	vsub.f32 v5, v26  }
0x8e: {  	[tilespmem:s0+$0xB0C0] =	vst v33;
	v12 =	vsub.f32 v6, v27;
	v10 =	vnsel vm8, $0x4E6E6B28, v10  }
0x8f: {  	v30 =	vsub.f32 v7, v28;
	v29 =	vnsel vm8, $0x4E6E6B28, v11;
	[tilespmem:s0+$0x30C0] =	vst v10  }
0x90: {  	v31 =	vnsel vm8, $0x0, v12;
	[tilespmem:s0+$0x50C0] =	vst v29  }
0x91: {  	v32 =	vnsel vm8, $0x0, v30;
	[tilespmem:s0+$0x70C0] =	vst v31  }
0x92: {  	[tilespmem:s0+$0x90C0] =	vst v32  }
0x93: {  	v9 =	vld [tilespmem:$0x3050];
	_ =	sdelay $0x2  }
0x94: {  	v34 =	vor.u32 $0x50, v1  }
0x95: {  	vm10 =	vgt.s32 v8, v34  }
0x96: {  	v9 =	vsel vm10, v9, v3;
	_ =	sdelay $0x4  }
0x97: {  	v35 =	vld.idx.msk [tilespmem:v9+s3+$0x0], $0xffff  }
0x98: {  	v36 =	vld.idx.msk [tilespmem:v9+s17+$0x0], $0xffff  }
0x99: {  	v37 =	vld.idx.msk [tilespmem:v9+s18+$0x0], $0xffff  }
0x9a: {  	v38 =	vld.idx.msk [tilespmem:v9+s19+$0x0], $0xffff  }
0x9b: {  	vm11 =	veq.s32 v9, v3  }
0x9c: {  	vm0 =	vmand vm10, vm11;
	v10 =	vsub.f32 v4, v35  }
0x9d: {  	v43 =	vsel vm0, $0x3F800000, v2;
	v11 =	vsub.f32 v5, v36  }
0x9e: {  	[tilespmem:s0+$0xB0D0] =	vst v43;
	v12 =	vsub.f32 v6, v37;
	v10 =	vnsel vm10, $0x4E6E6B28, v10  }
0x9f: {  	v40 =	vsub.f32 v7, v38;
	v39 =	vnsel vm10, $0x4E6E6B28, v11;
	[tilespmem:s0+$0x30D0] =	vst v10  }
0xa0: {  	v41 =	vnsel vm10, $0x0, v12;
	[tilespmem:s0+$0x50D0] =	vst v39  }
0xa1: {  	v42 =	vnsel vm10, $0x0, v40;
	[tilespmem:s0+$0x70D0] =	vst v41  }
0xa2: {  	[tilespmem:s0+$0x90D0] =	vst v42  }
0xa3: {  	v9 =	vld [tilespmem:$0x3060];
	_ =	sdelay $0x2  }
0xa4: {  	v44 =	vor.u32 $0x60, v1  }
0xa5: {  	vm12 =	vgt.s32 v8, v44  }
0xa6: {  	v9 =	vsel vm12, v9, v3;
	_ =	sdelay $0x4  }
0xa7: {  	v45 =	vld.idx.msk [tilespmem:v9+s3+$0x0], $0xffff  }
0xa8: {  	v46 =	vld.idx.msk [tilespmem:v9+s17+$0x0], $0xffff  }
0xa9: {  	v47 =	vld.idx.msk [tilespmem:v9+s18+$0x0], $0xffff  }
0xaa: {  	v48 =	vld.idx.msk [tilespmem:v9+s19+$0x0], $0xffff  }
0xab: {  	vm13 =	veq.s32 v9, v3  }
0xac: {  	vm0 =	vmand vm12, vm13;
	v10 =	vsub.f32 v4, v45  }
0xad: {  	v53 =	vsel vm0, $0x3F800000, v2;
	v11 =	vsub.f32 v5, v46  }
0xae: {  	[tilespmem:s0+$0xB0E0] =	vst v53;
	v12 =	vsub.f32 v6, v47;
	v10 =	vnsel vm12, $0x4E6E6B28, v10  }
0xaf: {  	v50 =	vsub.f32 v7, v48;
	v49 =	vnsel vm12, $0x4E6E6B28, v11;
	[tilespmem:s0+$0x30E0] =	vst v10  }
0xb0: {  	v51 =	vnsel vm12, $0x0, v12;
	[tilespmem:s0+$0x50E0] =	vst v49  }
0xb1: {  	v52 =	vnsel vm12, $0x0, v50;
	[tilespmem:s0+$0x70E0] =	vst v51  }
0xb2: {  	[tilespmem:s0+$0x90E0] =	vst v52  }
0xb3: {  	v9 =	vld [tilespmem:$0x3070];
	_ =	sdelay $0x2  }
0xb4: {  	v54 =	vor.u32 $0x70, v1  }
0xb5: {  	vm14 =	vgt.s32 v8, v54  }
0xb6: {  	v8 =	vsel vm14, v9, v3;
	_ =	sdelay $0x4  }
0xb7: {  	v9 =	vld.idx.msk [tilespmem:v8+s3+$0x0], $0xffff  }
0xb8: {  	v55 =	vld.idx.msk [tilespmem:v8+s17+$0x0], $0xffff  }
0xb9: {  	v56 =	vld.idx.msk [tilespmem:v8+s18+$0x0], $0xffff  }
0xba: {  	v57 =	vld.idx.msk [tilespmem:v8+s19+$0x0], $0xffff;
	_ =	sdelay $0x1  }
0xbb: {  	v58 =	vsub.f32 v4, v9  }
0xbc: {  	s30 =	sadd.s32 $0x1, s30;
	v59 =	vsub.f32 v5, v55  }
0xbd: {  	p0 =	sne.s32 s30, $0x40;
	v60 =	vsub.f32 v6, v56;
	v4 =	vnsel vm14, $0x4E6E6B28, v58  }
.Ltmp3:
0xbe: {  	v62 =	vsub.f32 v7, v57;
	v61 =	vnsel vm14, $0x4E6E6B28, v59;
	[tilespmem:s0+$0x30F0] =	vst v4;
	(pc) =	sbr.rel @!p0 .LBB2_17-.Ltmp3, $4  }
0xbf: {  	vm15 =	veq.s32 v8, v3;
	v63 =	vnsel vm14, $0x0, v60;
	[tilespmem:s0+$0x50F0] =	vst v61  }
0xc0: {  	vm0 =	vmand vm14, vm15;
	v3 =	vnsel vm14, $0x0, v62;
	[tilespmem:s0+$0x70F0] =	vst v63  }
0xc1: {  	[tilespmem:s0+$0x90F0] =	vst v3;
	v3 =	vsel vm0, $0x3F800000, v2  }
0xc2: {  	[tilespmem:s0+$0xB0F0] =	vst v3  }
.LBB2_2:
0xc3: {  	s25 =	simm.s32 $0x40  }
0xc4: {  	s1 =	simm.s32 $0x840;
	v6 =	vld [tilespmem:s25+$0xFFFFFFD0]  }
0xc5: {  	v7 =	vld [tilespmem:s1+$0xFFFFFFD0]  }
0xc6: {  	s0 =	sor.u32 s4, s30;
	v8 =	vld [tilespmem:s25+$0xFFFFFFE0]  }
0xc7: {  	v3 =	vmov s0;
	v9 =	vld [tilespmem:s1+$0xFFFFFFE0]  }
0xc8: {  	v10 =	vld [tilespmem:s25+$0xFFFFFFF0]  }
0xc9: {  	v11 =	vld [tilespmem:s1+$0xFFFFFFF0]  }
0xca: {  	v12 =	vld [tilespmem:s25+$0x0]  }
0xcb: {  	v13 =	vld [tilespmem:s1+$0x0]  }
0xcc: {  	v4 =	vld.idx.msk [tilespmem:v3+s3+$0x0], $0xffff  }
0xcd: {  	v5 =	vld.idx.msk [tilespmem:v3+s17+$0x0], $0xffff  }
0xce: {  	v14 =	vld [tilespmem:s25+$0x10]  }
0xcf: {  	v15 =	vld [tilespmem:s1+$0x10]  }
0xd0: {  	s5 =	simm.s32 $0x0;
	v16 =	vld [tilespmem:s25+$0x20]  }
0xd1: {  	v25 =	vimm.s32 $0x0;
	s6 =	simm.s32 $0x10;
	v17 =	vld [tilespmem:s1+$0x20];
	v33 =	vor.u32 s5, v1  }
0xd2: {  	s7 =	simm.s32 $0x20;
	v18 =	vld [tilespmem:s25+$0x30];
	v34 =	vor.u32 s6, v1;
	v6 =	vsub.f32 v4, v6;
	v7 =	vsub.f32 v5, v7  }
0xd3: {  	s26 =	simm.s32 $0x30;
	v19 =	vld [tilespmem:s1+$0x30];
	v35 =	vor.u32 s7, v1;
	v8 =	vsub.f32 v4, v8;
	v9 =	vsub.f32 v5, v9  }
0xd4: {  	s28 =	simm.s32 $0x40;
	v20 =	vld [tilespmem:s25+$0xFFFFFFC0];
	v52 =	vor.u32 s26, v1;
	v10 =	vsub.f32 v4, v10;
	v11 =	vsub.f32 v5, v11  }
0xd5: {  	s2 =	simm.s32 $0xC0;
	s29 =	simm.s32 $0x50;
	v21 =	vld [tilespmem:s1+$0xFFFFFFC0];
	v37 =	vor.u32 s28, v1;
	v12 =	vsub.f32 v4, v12;
	v13 =	vsub.f32 v5, v13  }
0xd6: {  	s31 =	simm.s32 $0x60;
	v31 =	vld [tilespmem:s2+$0xFFFFFFF0];
	v54 =	vor.u32 s29, v1;
	v14 =	vsub.f32 v4, v14;
	v15 =	vsub.f32 v5, v15  }
0xd7: {  	s0 =	simm.s32 $0x70;
	v55 =	vor.u32 s31, v1;
	v16 =	vsub.f32 v4, v16;
	v17 =	vsub.f32 v5, v17  }
0xd8: {  	v32 =	vor.u32 s0, v1;
	v18 =	vsub.f32 v4, v18;
	v19 =	vsub.f32 v5, v19  }
0xd9: {  	v20 =	vsub.f32 v4, v20;
	v6 =	vmul.f32 v6, v6;
	v7 =	vmul.f32 v7, v7  }
0xda: {  	v21 =	vsub.f32 v5, v21;
	v8 =	vmul.f32 v8, v8;
	v9 =	vmul.f32 v9, v9  }
0xdb: {  	v31 =	vsub.f32 v4, v31;
	v10 =	vmul.f32 v10, v10;
	v11 =	vmul.f32 v11, v11  }
0xdc: {  	v12 =	vmul.f32 v12, v12;
	v13 =	vmul.f32 v13, v13;
	v6 =	vadd.f32 $9.999999970e-07, v6  }
0xdd: {  	v14 =	vmul.f32 v14, v14;
	v7 =	vadd.f32 $9.999999970e-07, v7;
	v22 =	vadd.f32 $9.999999970e-07, v10  }
0xde: {  	v23 =	vadd.f32 $9.999999970e-07, v11;
	v10 =	vmul.f32 v20, v20;
	v11 =	vmul.f32 v21, v21  }
0xdf: {  	v15 =	vmul.f32 v15, v15;
	v8 =	vadd.f32 $9.999999970e-07, v8;
	v9 =	vadd.f32 $9.999999970e-07, v9  }
0xe0: {  	v16 =	vmul.f32 v16, v16;
	v10 =	vadd.f32 $9.999999970e-07, v10;
	v11 =	vadd.f32 $9.999999970e-07, v11  }
0xe1: {  	v17 =	vmul.f32 v17, v17;
	v12 =	vadd.f32 $9.999999970e-07, v12;
	v13 =	vadd.f32 $9.999999970e-07, v13  }
0xe2: {  	v20 =	vadd.f32 $9.999999970e-07, v16;
	v16 =	vmul.f32 v19, v19;
	v11 =	vadd.f32 v11, v10  }
0xe3: {  	v18 =	vmul.f32 v18, v18;
	v14 =	vadd.f32 $9.999999970e-07, v14;
	v10 =	vadd.f32 v7, v6  }
0xe4: {  	v24 =	vadd.f32 $9.999999970e-07, v16;
	v9 =	vadd.f32 v9, v8;
	vm3 =	vle.f32 v11, $1.000002980e+00  }
0xe5: {  	v16 =	vadd.f32 v23, v22;
	vm2 =	vle.f32 v10, $1.000002980e+00;
	v6 =	vmpcnt.ones.xlane vm3  }
0xe6: {  	s1 =	simm.s32 $0x8C0;
	v42 =	vld [tilespmem:s2+$0x20];
	v19 =	vadd.f32 v13, v12;
	vm1 =	vle.f32 v9, $1.000002980e+00;
	v7 =	vmpcnt.ones.xlane vm2  }
0xe7: {  	v40 =	vld [tilespmem:s1+$0x10];
	vm0 =	vle.f32 v16, $1.000002980e+00;
	v8 =	vmpcnt.ones.xlane vm1;
	v6 =	vadd.s32 v25, v6  }
0xe8: {  	v44 =	vld [tilespmem:s2+$0x30];
	vm5 =	vle.f32 v19, $1.000002980e+00;
	v12 =	vmpcnt.ones.xlane vm0;
	v7 =	vadd.s32 v6, v7  }
0xe9: {  	v28 =	vld [tilespmem:s1+$0xFFFFFFE0];
	v17 =	vadd.f32 $9.999999970e-07, v17;
	v13 =	vadd.s32 v7, v8;
	v8 =	vmpcnt.ones.xlane vm5  }
0xea: {  	v45 =	vld [tilespmem:s1+$0x30];
	v15 =	vadd.f32 $9.999999970e-07, v15;
	v21 =	vadd.f32 $9.999999970e-07, v18;
	v12 =	vadd.s32 v13, v12  }
0xeb: {  	v17 =	vadd.f32 v17, v20;
	v20 =	vadd.s32 v12, v8;
	v8 =	vsel vm3, $0x1, v0  }
0xec: {  	v40 =	vsub.f32 v5, v40;
	v42 =	vsub.f32 v4, v42;
	v23 =	vsel vm2, $0x1, v0;
	(xrf0) =	vadd.scan.msk.s32 $0xffff, v8  }
0xed: {  	v18 =	vadd.f32 v15, v14;
	v14 =	vadd.f32 v24, v21;
	v24 =	vsel vm1, $0x1, v0;
	(xrf0) =	vadd.scan.msk.s32 $0xffff, v23  }
0xee: {  	v28 =	vsub.f32 v5, v28;
	v31 =	vmul.f32 v31, v31;
	v40 =	vmul.f32 v40, v40;
	(xrf0) =	vadd.scan.msk.s32 $0xffff, v24  }
0xef: {  	v56 =	vsub.f32 v4, v44;
	v57 =	vsub.f32 v5, v45;
	v42 =	vmul.f32 v42, v42  }
0xf0: {  	v27 =	vld [tilespmem:s2+$0xFFFFFFE0];
	v31 =	vadd.f32 $9.999999970e-07, v31;
	v59 =	vadd.f32 $9.999999970e-07, v40;
	v23 =	vsel vm0, $0x1, v0  }
0xf1: {  	v60 =	vadd.f32 $9.999999970e-07, v42;
	v22 =	vld [tilespmem:s2+$0xFFFFFFD0];
	vm6 =	vle.f32 v18, $1.000002980e+00;
	v24 =	vsel vm5, $0x1, v0;
	(xrf0) =	vadd.scan.msk.s32 $0xffff, v23  }
0xf2: {  	v51 =	vld [tilespmem:s1+$0x0];
	vm8 =	vle.f32 v17, $1.000002980e+00;
	v15 =	vmpcnt.ones.xlane vm6;
	v23 =	vsel vm6, $0x1, v0;
	(xrf0) =	vadd.scan.msk.s32 $0xffff, v24;
	v36, _, _ =	vpop (xrf0)  }
0xf3: {  	v53 =	vld [tilespmem:s2+$0x10];
	v21 =	vmpcnt.ones.xlane vm8;
	v29 =	vsel vm8, $0x1, v0;
	vm4 =	vle.f32 v14, $1.000002980e+00;
	(xrf0) =	vadd.scan.msk.s32 $0xffff, v23;
	v38, _, _ =	vpop (xrf0)  }
0xf4: {  	v30 =	vsel vm4, $0x1, v0;
	v15 =	vadd.s32 v20, v15;
	v24 =	vld [tilespmem:s1+$0xFFFFFFF0];
	(xrf0) =	vadd.scan.msk.s32 $0xffff, v29;
	v6 =	vadd.s32 v38, v6;
	v39, _, _ =	vpop (xrf0)  }
0xf5: {  	v26 =	vld [tilespmem:s1+$0xFFFFFFD0];
	v8 =	vmpcnt.ones.xlane vm4;
	(xrf0) =	vadd.scan.msk.s32 $0xffff, v30;
	v41 =	vadd.s32 $0xFFFFFFFF, v6;
	v6 =	vadd.s32 v39, v7  }
0xf6: {  	vm7 =	vmmov vm6;
	v22 =	vsub.f32 v4, v22;
	v21 =	vadd.s32 v15, v21  }
0xf7: {  	v8 =	vadd.s32 v21, v8;
	vm6 =	vmmov vm8;
	v23 =	vld [tilespmem:s2+$0x0];
	v29 =	vsub.f32 v5, v51;
	v7, _, _ =	vpop (xrf0)  }
0xf8: {  	v25 =	vadd.s32 v36, v25;
	v30 =	vsub.f32 v4, v53;
	v43 =	vadd.s32 $0xFFFFFFFF, v6;
	v6, _, _ =	vpop (xrf0)  }
0xf9: {  	v24 =	vsub.f32 v5, v24;
	v13 =	vadd.s32 v7, v13;
	v12 =	vadd.s32 v6, v12;
	v6, _, _ =	vpop (xrf0)  }
0xfa: {  	v7 =	vsub.f32 v5, v26;
	v26 =	vsub.f32 v4, v27;
	v27 =	vld [tilespmem:s1+$0x20];
	v20 =	vadd.s32 v6, v20;
	v6, _, _ =	vpop (xrf0)  }
0xfb: {  	v25 =	vadd.s32 $0xFFFFFFFF, v25;
	v29 =	vmul.f32 v29, v29;
	v46 =	vadd.s32 v6, v15;
	v6, _, _ =	vpop (xrf0);
	v15 =	vld [tilespmem:s2+$0xFFFFFFC0]  }
0xfc: {  	v23 =	vsub.f32 v4, v23;
	v24 =	vmul.f32 v24, v24;
	v6 =	vadd.s32 v6, v21;
	v21 =	vld [tilespmem:s1+$0xFFFFFFC0]  }
0xfd: {  	v29 =	vadd.f32 $9.999999970e-07, v29;
	v7 =	vmul.f32 v7, v7;
	v26 =	vmul.f32 v26, v26  }
0xfe: {  	v23 =	vmul.f32 v23, v23;
	v24 =	vadd.f32 $9.999999970e-07, v24;
	v47 =	vadd.s32 $0xFFFFFFFF, v6  }
0xff: {  	v48 =	vadd.f32 $9.999999970e-07, v7;
	v26 =	vadd.f32 $9.999999970e-07, v26;
	v62 =	vadd.s32 $0xFFFFFFFF, v12  }
0x100: {  	v12 =	vadd.f32 v24, v31;
	v6 =	vmul.f32 v22, v22;
	v22 =	vsub.f32 v5, v27  }
0x101: {  	v30 =	vmul.f32 v30, v30;
	v7 =	vld.idx.msk [tilespmem:v3+s19+$0x0], $0xffff;
	v15 =	vsub.f32 v4, v15;
	v21 =	vsub.f32 v5, v21  }
0x102: {  	v23 =	vadd.f32 $9.999999970e-07, v23;
	v27 =	vmul.f32 v28, v28;
	v58 =	vadd.f32 $9.999999970e-07, v6;
	v6 =	vld.idx.msk [tilespmem:v3+s18+$0x0], $0xffff;
	[tilespmem:v25+s20+$0x0] =	vst.idx.msk vm3, v11  }
0x103: {  	v63 =	vadd.s32 $0xFFFFFFFF, v20;
	v11 =	vmul.f32 v15, v15;
	[tilespmem:v47+s20+$0x0] =	vst.idx.msk vm4, v14;
	v14 =	vmul.f32 v21, v21  }
0x104: {  	v28 =	vmul.f32 v56, v56;
	v27 =	vadd.f32 $9.999999970e-07, v27;
	v22 =	vmul.f32 v22, v22;
	[tilespmem:v41+s20+$0x0] =	vst.idx.msk vm2, v10  }
0x105: {  	[tilespmem:v43+s20+$0x0] =	vst.idx.msk vm1, v9;
	v15 =	vmul.f32 v57, v57;
	v11 =	vadd.f32 $9.999999970e-07, v11;
	v14 =	vadd.f32 $9.999999970e-07, v14  }
0x106: {  	v28 =	vadd.f32 $9.999999970e-07, v28;
	[tilespmem:v25+s21+$0x0] =	vst.idx.msk vm3, v33;
	v25 =	vadd.s32 $0xFFFFFFFF, v13;
	v22 =	vadd.f32 $9.999999970e-07, v22  }
0x107: {  	[tilespmem:v43+s21+$0x0] =	vst.idx.msk vm1, v35;
	vm1 =	vle.f32 v12, $1.000002980e+00;
	v61 =	vadd.f32 $9.999999970e-07, v15;
	v15 =	vadd.f32 v14, v11  }
0x108: {  	[tilespmem:v62+s20+$0x0] =	vst.idx.msk vm5, v19;
	v13 =	vadd.f32 v27, v26;
	v27 =	vadd.s32 $0xFFFFFFFF, v46;
	v14 =	vadd.f32 v48, v58  }
0x109: {  	v19 =	vmpcnt.ones.xlane vm1;
	v21 =	vadd.f32 $9.999999970e-07, v30;
	[tilespmem:v47+s21+$0x0] =	vst.idx.msk vm4, v32;
	vm4 =	vle.f32 v15, $1.000002980e+00  }
0x10a: {  	[tilespmem:v41+s21+$0x0] =	vst.idx.msk vm2, v34;
	vm2 =	vle.f32 v13, $1.000002980e+00;
	vm3 =	vle.f32 v14, $1.000002980e+00;
	v20 =	vmpcnt.ones.xlane vm4  }
0x10b: {  	[tilespmem:v62+s21+$0x0] =	vst.idx.msk vm5, v37;
	v10 =	vadd.f32 v59, v21;
	v11 =	vadd.f32 v29, v23;
	v21 =	vmpcnt.ones.xlane vm3  }
0x10c: {  	v9 =	vadd.f32 v22, v60;
	[tilespmem:v25+s20+$0x0] =	vst.idx.msk vm0, v16;
	v23 =	vadd.s32 v8, v20;
	v20 =	vmpcnt.ones.xlane vm2  }
0x10d: {  	v16 =	vadd.f32 v61, v28;
	[tilespmem:v25+s21+$0x0] =	vst.idx.msk vm0, v52;
	vm0 =	vle.f32 v11, $1.000002980e+00;
	v24 =	vadd.s32 v23, v21  }
0x10e: {  	[tilespmem:v63+s20+$0x0] =	vst.idx.msk vm7, v18;
	vm8 =	vle.f32 v10, $1.000002980e+00;
	v22 =	vmpcnt.ones.xlane vm0;
	v21 =	vadd.s32 v24, v20  }
0x10f: {  	[tilespmem:v63+s21+$0x0] =	vst.idx.msk vm7, v54;
	vm9 =	vle.f32 v9, $1.000002980e+00;
	v18 =	vmpcnt.ones.xlane vm8;
	v20 =	vadd.s32 v21, v19  }
0x110: {  	v25 =	vmpcnt.ones.xlane vm9;
	[tilespmem:v27+s20+$0x0] =	vst.idx.msk vm6, v17;
	vm5 =	vle.f32 v16, $1.000002980e+00;
	v19 =	vadd.s32 v20, v22  }
0x111: {  	s23 =	simm.s32 $0x8;
	s24 =	simm.s32 $0x140;
	[tilespmem:v27+s21+$0x0] =	vst.idx.msk vm6, v55;
	v17 =	vmpcnt.ones.xlane vm5;
	v26 =	vsel vm4, $0x1, v0;
	v18 =	vadd.s32 v19, v18  }
.LBB2_3:
0x112: {  	v28 =	vld [tilespmem:s24+$0xFFFFFFD0];
	v22 =	vsel vm3, $0x1, v0;
	v27 =	vsel vm2, $0x1, v0;
	v29 =	vadd.s32 v18, v25;
	s1 =	sadd.s32 $0x80, s1;
	(xrf0) =	vadd.scan.msk.s32 $0xffff, v26  }
0x113: {  	v25 =	vsel vm1, $0x1, v0;
	v26 =	vsel vm0, $0x1, v0;
	v30 =	vld [tilespmem:s1+$0xFFFFFFD0];
	v17 =	vadd.s32 v29, v17;
	(xrf0) =	vadd.scan.msk.s32 $0xffff, v22  }
0x114: {  	v32 =	vsel vm9, $0x1, v0;
	v33 =	vsel vm5, $0x1, v0;
	v22 =	vsel vm8, $0x1, v0;
	v31 =	vld [tilespmem:s24+$0xFFFFFFE0];
	(xrf0) =	vadd.scan.msk.s32 $0xffff, v27  }
0x115: {  	vm7 =	vmmov vm8;
	vm6 =	vmmov vm9;
	v34 =	vld [tilespmem:s1+$0xFFFFFFE0];
	(xrf0) =	vadd.scan.msk.s32 $0xffff, v25  }
0x116: {  	s0 =	sadd.s32 $0x80, s0;
	v35 =	vld [tilespmem:s24+$0xFFFFFFF0];
	(xrf0) =	vadd.scan.msk.s32 $0xffff, v26  }
0x117: {  	s2 =	sadd.s32 $0xFFFFFF90, s0;
	s5 =	sadd.s32 $0xFFFFFFA0, s0;
	s6 =	sadd.s32 $0xFFFFFFB0, s0;
	v37 =	vor.u32 s0, v1;
	v36 =	vld [tilespmem:s1+$0xFFFFFFF0];
	(xrf0) =	vadd.scan.msk.s32 $0xffff, v22  }
0x118: {  	v39 =	vor.u32 s2, v1;
	v40 =	vor.u32 s5, v1;
	v41 =	vor.u32 s6, v1;
	s2 =	sadd.s32 $0xFFFFFFC0, s0;
	s5 =	sadd.s32 $0xFFFFFFD0, s0;
	v38 =	vld [tilespmem:s24+$0x0];
	v22, _, _ =	vpop (xrf0);
	(xrf0) =	vadd.scan.msk.s32 $0xffff, v32  }
0x119: {  	v27 =	vor.u32 s2, v1;
	s2 =	sadd.s32 $0xFFFFFFE0, s0;
	v26 =	vor.u32 s5, v1;
	v32 =	vld [tilespmem:s1+$0x0];
	v8 =	vadd.s32 v22, v8;
	v22, _, _ =	vpop (xrf0);
	(xrf0) =	vadd.scan.msk.s32 $0xffff, v33  }
0x11a: {  	v25 =	vor.u32 s2, v1;
	s2 =	sadd.s32 $0xFFFFFFF0, s0;
	v33 =	vld [tilespmem:s24+$0x10];
	v42 =	vadd.s32 $0xFFFFFFFF, v8;
	v47 =	vadd.s32 v22, v23;
	v22, _, _ =	vpop (xrf0)  }
0x11b: {  	v23 =	vld [tilespmem:s1+$0x10];
	v43 =	vadd.s32 $0xFFFFFFFF, v47;
	v46 =	vadd.s32 v22, v24;
	v22 =	vor.u32 s2, v1;
	v24, _, _ =	vpop (xrf0)  }
0x11c: {  	v28 =	vsub.f32 v4, v28;
	v44 =	vld [tilespmem:s24+$0x20];
	v45 =	vadd.s32 $0xFFFFFFFF, v46;
	v21 =	vadd.s32 v24, v21;
	v8, _, _ =	vpop (xrf0)  }
0x11d: {  	v24 =	vsub.f32 v5, v30;
	v30 =	vsub.f32 v4, v31;
	v31 =	vld [tilespmem:s1+$0x20];
	v20 =	vadd.s32 v8, v20;
	v8, _, _ =	vpop (xrf0)  }
0x11e: {  	s23 =	sadd.s32 $0x8, s23;
	v34 =	vsub.f32 v5, v34;
	v35 =	vsub.f32 v4, v35;
	v46 =	vld [tilespmem:s24+$0x30];
	v19 =	vadd.s32 v8, v19;
	v8, _, _ =	vpop (xrf0)  }
0x11f: {  	p0 =	slt.u32 s23, $0x78;
	v36 =	vsub.f32 v5, v36;
	v38 =	vsub.f32 v4, v38;
	v47 =	vld [tilespmem:s1+$0x30];
	v18 =	vadd.s32 v8, v18;
	v8, _, _ =	vpop (xrf0)  }
0x120: {  	v32 =	vsub.f32 v5, v32;
	v33 =	vsub.f32 v4, v33;
	v48 =	vld [tilespmem:s24+$0xFFFFFFC0];
	v29 =	vadd.s32 v8, v29;
	v8 =	vmovc v17  }
0x121: {  	v23 =	vsub.f32 v5, v23;
	v49 =	vld [tilespmem:s1+$0xFFFFFFC0];
	v44 =	vsub.f32 v4, v44;
	[tilespmem:v42+s20+$0x0] =	vst.idx.msk vm4, v15;
	v15 =	vadd.s32 $0xFFFFFFFF, v29  }
0x122: {  	v28 =	vmul.f32 v28, v28;
	v24 =	vmul.f32 v24, v24;
	v29 =	vsub.f32 v5, v31  }
0x123: {  	v30 =	vmul.f32 v30, v30;
	v31 =	vmul.f32 v34, v34;
	v34 =	vsub.f32 v4, v46  }
0x124: {  	v35 =	vmul.f32 v35, v35;
	v36 =	vmul.f32 v36, v36;
	v46 =	vsub.f32 v5, v47  }
0x125: {  	v38 =	vmul.f32 v38, v38;
	v32 =	vmul.f32 v32, v32;
	v47 =	vsub.f32 v4, v48  }
0x126: {  	v33 =	vmul.f32 v33, v33;
	v23 =	vmul.f32 v23, v23;
	v48 =	vsub.f32 v5, v49  }
0x127: {  	v28 =	vadd.f32 $9.999999970e-07, v28;
	v24 =	vadd.f32 $9.999999970e-07, v24;
	v44 =	vmul.f32 v44, v44;
	[tilespmem:v15+s20+$0x0] =	vst.idx.msk vm5, v16  }
0x128: {  	v29 =	vmul.f32 v29, v29;
	v16 =	vadd.f32 $9.999999970e-07, v30;
	v30 =	vadd.f32 $9.999999970e-07, v31;
	[tilespmem:v15+s21+$0x0] =	vst.idx.msk vm5, v37  }
0x129: {  	v31 =	vadd.f32 $9.999999970e-07, v35;
	v35 =	vadd.f32 $9.999999970e-07, v36;
	v15 =	vmul.f32 v34, v34;
	[tilespmem:v42+s21+$0x0] =	vst.idx.msk vm4, v39  }
0x12a: {  	v32 =	vadd.f32 $9.999999970e-07, v32;
	v36 =	vadd.f32 $9.999999970e-07, v38;
	v34 =	vmul.f32 v47, v47;
	[tilespmem:v43+s20+$0x0] =	vst.idx.msk vm3, v14  }
0x12b: {  	v33 =	vadd.f32 $9.999999970e-07, v33;
	v23 =	vadd.f32 $9.999999970e-07, v23;
	v14 =	vmul.f32 v48, v48;
	[tilespmem:v43+s21+$0x0] =	vst.idx.msk vm3, v40  }
0x12c: {  	v29 =	vadd.f32 $9.999999970e-07, v29;
	v38 =	vmul.f32 v46, v46;
	v37 =	vadd.f32 $9.999999970e-07, v44;
	[tilespmem:v45+s20+$0x0] =	vst.idx.msk vm2, v13  }
0x12d: {  	v21 =	vadd.s32 $0xFFFFFFFF, v21;
	v13 =	vadd.f32 $9.999999970e-07, v34;
	v14 =	vadd.f32 $9.999999970e-07, v14;
	[tilespmem:v45+s21+$0x0] =	vst.idx.msk vm2, v41  }
0x12e: {  	v20 =	vadd.s32 $0xFFFFFFFF, v20;
	v38 =	vadd.f32 $9.999999970e-07, v38;
	v34 =	vadd.f32 $9.999999970e-07, v15  }
0x12f: {  	v19 =	vadd.s32 $0xFFFFFFFF, v19;
	v15 =	vadd.f32 v14, v13;
	v14 =	vadd.f32 v24, v28  }
0x130: {  	v13 =	vadd.f32 v30, v16;
	v16 =	vadd.f32 v35, v31;
	v28 =	vadd.s32 $0xFFFFFFFF, v18  }
0x131: {  	v18 =	vadd.f32 v32, v36;
	v30 =	vadd.f32 v23, v33;
	vm4 =	vle.f32 v15, $1.000002980e+00  }
0x132: {  	v29 =	vadd.f32 v29, v37;
	vm3 =	vle.f32 v14, $1.000002980e+00;
	v23 =	vmpcnt.ones.xlane vm4;
	[tilespmem:v21+s20+$0x0] =	vst.idx.msk vm1, v12;
	v12 =	vmovc v16  }
0x133: {  	vm2 =	vle.f32 v13, $1.000002980e+00;
	v24 =	vmpcnt.ones.xlane vm3;
	v16 =	vadd.f32 v38, v34;
	[tilespmem:v21+s21+$0x0] =	vst.idx.msk vm1, v27  }
0x134: {  	v23 =	vadd.s32 v17, v23;
	v17 =	vmpcnt.ones.xlane vm2;
	vm1 =	vle.f32 v12, $1.000002980e+00;
	[tilespmem:v20+s20+$0x0] =	vst.idx.msk vm0, v11;
	v11 =	vmovc v18  }
.Ltmp4:
0x135: {  	v24 =	vadd.s32 v23, v24;
	v18 =	vmpcnt.ones.xlane vm1;
	[tilespmem:v20+s21+$0x0] =	vst.idx.msk vm0, v26;
	vm0 =	vle.f32 v11, $1.000002980e+00;
	(pc) =	sbr.rel @p0 .LBB2_3-.Ltmp4, $4  }
0x136: {  	vm8 =	vle.f32 v30, $1.000002980e+00;
	v21 =	vadd.s32 v24, v17;
	v17 =	vmpcnt.ones.xlane vm0;
	[tilespmem:v19+s20+$0x0] =	vst.idx.msk vm7, v10;
	v10 =	vmovc v30  }
0x137: {  	vm9 =	vle.f32 v29, $1.000002980e+00;
	v20 =	vadd.s32 v21, v18;
	v18 =	vmpcnt.ones.xlane vm8;
	[tilespmem:v19+s21+$0x0] =	vst.idx.msk vm7, v25  }
0x138: {  	vm5 =	vle.f32 v16, $1.000002980e+00;
	v25 =	vmpcnt.ones.xlane vm9;
	v19 =	vadd.s32 v20, v17;
	[tilespmem:v28+s20+$0x0] =	vst.idx.msk vm6, v9;
	v9 =	vmovc v29  }
0x139: {  	s24 =	sadd.s32 $0x80, s24;
	v26 =	vsel vm4, $0x1, v0;
	v17 =	vmpcnt.ones.xlane vm5;
	v18 =	vadd.s32 v19, v18;
	[tilespmem:v28+s21+$0x0] =	vst.idx.msk vm6, v22  }
0x13a: {  	v22 =	vsel vm3, $0x1, v0;
	(xrf0) =	vadd.scan.msk.s32 $0xffff, v26  }
0x13b: {  	v44 =	vsel vm2, $0x1, v0;
	(xrf0) =	vadd.scan.msk.s32 $0xffff, v22  }
0x13c: {  	v45 =	vsel vm1, $0x1, v0;
	(xrf0) =	vadd.scan.msk.s32 $0xffff, v44  }
0x13d: {  	v46 =	vsel vm0, $0x1, v0;
	(xrf0) =	vadd.scan.msk.s32 $0xffff, v45  }
0x13e: {  	v47 =	vsel vm8, $0x1, v0;
	(xrf0) =	vadd.scan.msk.s32 $0xffff, v46  }
0x13f: {  	v25 =	vadd.s32 v18, v25;
	v48 =	vsel vm9, $0x1, v0;
	(xrf0) =	vadd.scan.msk.s32 $0xffff, v47  }
0x140: {  	v49 =	vsel vm5, $0x1, v0;
	v17 =	vadd.s32 v25, v17;
	v27, _, _ =	vpop (xrf0);
	(xrf0) =	vadd.scan.msk.s32 $0xffff, v48  }
0x141: {  	v17 =	vxor.u32 $0x80000000, v17;
	v50, _, _ =	vpop (xrf0);
	(xrf0) =	vadd.scan.msk.s32 $0xffff, v49  }
0x142: {  	v51, _, _ =	vpop (xrf0);
	(xrf0) =	vmax.scan.msk.u32 $0xffff, v17  }
0x143: {  	v52, _, _ =	vpop (xrf0)  }
0x144: {  	v28, _, _ =	vpop (xrf0)  }
0x145: {  	v29, _, _ =	vpop (xrf0)  }
0x146: {  	v30, _, _ =	vpop (xrf0)  }
0x147: {  	v31, _, _ =	vpop (xrf0)  }
0x148: {  	v32, _, _ =	vpop (xrf0)  }
0x149: {  	(v2sf) =	vpush v32, $0xF;
	_ =	sdelay $0x1  }
0x14a: {  	v8 =	vadd.s32 v27, v8  }
0x14b: {  	v8 =	vadd.s32 $0xFFFFFFFF, v8  }
0x14c: {  	v23 =	vadd.s32 v50, v23  }
0x14d: {  	v23 =	vadd.s32 $0xFFFFFFFF, v23  }
0x14e: {  	s1 =	sadd.s32 $0x80, s0;
	v22 =	vadd.s32 v51, v24  }
0x14f: {  	s0 =	sadd.s32 $0xFFFFFF90, s1;
	v22 =	vadd.s32 $0xFFFFFFFF, v22  }
0x150: {  	v54 =	vor.u32 s0, v1;
	v56 =	vadd.s32 v28, v20;
	[tilespmem:v8+s20+$0x0] =	vst.idx.msk vm4, v15  }
0x151: {  	s14 =	sadd.s32 $0xFFFFFFA0, s1;
	v17 =	vadd.s32 v52, v21;
	v57 =	vadd.s32 $0xFFFFFFFF, v56;
	[tilespmem:v8+s21+$0x0] =	vst.idx.msk vm4, v54  }
0x152: {  	v55 =	vor.u32 s14, v1;
	v8 =	vadd.s32 $0xFFFFFFFF, v17;
	[tilespmem:v23+s20+$0x0] =	vst.idx.msk vm3, v14  }
0x153: {  	s15 =	sadd.s32 $0xFFFFFFB0, s1;
	[tilespmem:v23+s21+$0x0] =	vst.idx.msk vm3, v55  }
0x154: {  	v58 =	vor.u32 s15, v1;
	v59 =	vadd.s32 v29, v19;
	[tilespmem:v22+s20+$0x0] =	vst.idx.msk vm2, v13  }
0x155: {  	v60 =	vadd.s32 $0xFFFFFFFF, v59;
	v62 =	vadd.s32 v30, v18;
	[tilespmem:v22+s21+$0x0] =	vst.idx.msk vm2, v58  }
0x156: {  	s23 =	sadd.s32 $0xFFFFFFC0, s1;
	v25 =	vadd.s32 v31, v25;
	v63 =	vadd.s32 $0xFFFFFFFF, v62;
	[tilespmem:v57+s20+$0x0] =	vst.idx.msk vm0, v11  }
0x157: {  	s5 =	sadd.s32 $0xFFFFFFD0, s1;
	v61 =	vor.u32 s23, v1;
	v25 =	vadd.s32 $0xFFFFFFFF, v25;
	[tilespmem:v8+s20+$0x0] =	vst.idx.msk vm1, v12;
	s2 =	spop (v2sf)  }
0x158: {  	s25 =	sadd.s32 $0xFFFFFFE0, s1;
	[tilespmem:v8+s21+$0x0] =	vst.idx.msk vm1, v61;
	v8 =	vor.u32 s5, v1;
	s24 =	sadd.s32 $0x8000000F, s2  }
0x159: {  	[tilespmem:v57+s21+$0x0] =	vst.idx.msk vm0, v8;
	v8 =	vor.u32 s25, v1;
	s25 =	sxor.u32 $0x80000000, s2;
	s31 =	sshra.s32 s24, $0x4  }
0x15a: {  	[tilespmem:v60+s20+$0x0] =	vst.idx.msk vm8, v10;
	p0 =	slt.s32 s25, $0x81;
	s0 =	sshrl.u32 s31, $0x1D  }
.Ltmp5:
0x15b: {  	[tilespmem:v63+s20+$0x0] =	vst.idx.msk vm9, v9;
	s0 =	sadd.s32 s0, s31;
	(pc) =	sbr.rel @p0 .LBB2_12-.Ltmp5, $4  }
0x15c: {  	v53 =	vor.u32 s1, v1;
	[tilespmem:v25+s20+$0x0] =	vst.idx.msk vm5, v16;
	s0 =	sand.u32 $0xFFFFFFF8, s0  }
0x15d: {  	s26 =	sadd.s32 $0xFFFFFFF0, s1;
	[tilespmem:v25+s21+$0x0] =	vst.idx.msk vm5, v53;
	s1 =	ssub.s32 s31, s0  }
0x15e: {  	[tilespmem:v60+s21+$0x0] =	vst.idx.msk vm8, v8;
	v8 =	vor.u32 s26, v1;
	s28 =	sshll.u32 s31, $0x6;
	s29 =	sshll.u32 s1, $0x6  }
0x15f: {  	vm14 =	vmmov vm8;
	vm15 =	vmmov vm9;
	s26 =	simm.s32 $0x3F800019;
	[tilespmem:v63+s21+$0x0] =	vst.idx.msk vm9, v8;
	v8 =	vmov s25;
	s23 =	sshll.u32 s31, $0x4;
	s24 =	ssub.s32 s28, s29  }
.Ltmp6:
0x160: {  	(pc) =	sbr.rel .LBB2_6-.Ltmp6, $4  }
0x161: {  	_ = 	snop  }
0x162: {  	s2 =	sshra.s32 s24, $0x2;
	s29 =	sshll.u32 s1, $0x4;
	s26 =	simm.s32 $0x3F800019  }
0x163: {  	s5 =	simm.s32 $0x0;
	p0 =	slt.s32 s0, $0x1;
	p1 =	slt.s32 s1, $0x1  }
0x164: {  	s6 =	simm.s32 $0x0;
	s28 =	sadd.s32 $0x2000, s2;
	s2 =	ssub.s32 s23, s29  }
.LBB2_10:
0x165: {  	(xrf0) =	vadd.scan.msk.s32 $0xffff, v10;
	_ =	sdelay $0x5  }
0x166: {  	v9, _, _ =	vpop (xrf0)  }
0x167: {  	(v2sf) =	vpush v9, $0xF;
	_ =	sdelay $0xe  }
0x168: {  	s8 =	spop (v2sf)  }
0x169: {  	p3 =	sgt.s32 s8, $0x3F  }
0x16a: {  	s25 =	smov.u32 @p3 s8  }
0x16b: {  	p2 =	slt.s32 s25, $0x81  }
0x16c: {  	p4 =	slt.u32 @!p2 s5, $0x17  }
0x16d: {  	p4 =	por p2, !p4  }
.Ltmp7:
0x16e: {  	_ = 	snop;
	(pc) =	sbr.rel @p4 .LBB2_11-.Ltmp7, $4  }
0x16f: {  	_ = 	snop  }
0x170: {  	s8 =	sadd.s32 $0x1, s7  }
0x171: {  	s8 =	smov.u32 @p3 s6  }
0x172: {  	s26 =	smov.u32 @p3 s7;
	s5 =	sadd.s32 $0x1, s5;
	s6 =	smov.u32 s8  }
.LBB2_6:
0x173: {  	s7 =	ssub.s32 s26, s6  }
0x174: {  	s7 =	sshra.s32 s7, $0x1  }
0x175: {  	s7 =	sadd.s32 s6, s7  }
0x176: {  	v9 =	vmov s7  }
0x177: {  	v9 =	vbroadcast v9, $0x0;
	_ =	sdelay $0x1  }
0x178: {  	(xrf0) =	vmax.scan.msk.f32 $0xffff, v9;
	_ =	sdelay $0x2  }
.Ltmp8:
0x179: {  	_ = 	snop;
	(pc) =	sbr.rel @p0 .LBB2_7-.Ltmp8, $3  }
0x17a: {  	_ =	sdelay $0x1  }
0x17b: {  	v9, _, _ =	vpop (xrf0)  }
0x17c: {  	v10 =	vimm.s32 $0x0;
	v9 =	vbroadcast v9, $0xF  }
0x17d: {  	s9 =	simm.s32 $0x2040  }
0x17e: {  	v11 =	vld [tilespmem:s9+$0x30]  }
0x17f: {  	v12 =	vld [tilespmem:s9+$0x20]  }
0x180: {  	v13 =	vld [tilespmem:s9+$0x10]  }
0x181: {  	s8 =	simm.s32 $0x70;
	s10 =	simm.s32 $0x60;
	s12 =	simm.s32 $0x30;
	v14 =	vld [tilespmem:s9+$0x0]  }
0x182: {  	s11 =	simm.s32 $0x50;
	s13 =	simm.s32 $0x40;
	s14 =	simm.s32 $0x0;
	v15 =	vor.u32 s8, v1;
	v16 =	vld [tilespmem:s9+$0xFFFFFFF0];
	v17 =	vor.u32 s10, v1;
	v18 =	vor.u32 s12, v1  }
0x183: {  	s29 =	simm.s32 $0x20;
	s15 =	simm.s32 $0x10;
	v63 =	vld [tilespmem:s9+$0xFFFFFFC0];
	v19 =	vor.u32 s13, v1;
	v20 =	vor.u32 s11, v1;
	v21 =	vor.u32 s14, v1  }
0x184: {  	v22 =	vld [tilespmem:s9+$0xFFFFFFD0];
	v23 =	vor.u32 s15, v1;
	v24 =	vor.u32 s29, v1;
	vm0 =	vlt.s32 v15, v8  }
0x185: {  	v25 =	vld [tilespmem:s9+$0xFFFFFFE0];
	vm6 =	vlt.s32 v19, v8;
	vm2 =	vlt.s32 v20, v8;
	vm1 =	vlt.s32 v17, v8  }
0x186: {  	vm7 =	vlt.s32 v23, v8;
	vm8 =	vlt.s32 v24, v8;
	vm9 =	vlt.s32 v18, v8  }
0x187: {  	vm10 =	vlt.s32 v21, v8;
	vm4 =	vle.f32 v12, v9;
	vm3 =	vle.f32 v11, v9  }
0x188: {  	p2 =	sgt.s32 s0, $0x8;
	vm11 =	vle.f32 v63, v9;
	vm12 =	vle.f32 v14, v9;
	vm5 =	vle.f32 v13, v9  }
.Ltmp9:
0x189: {  	vm13 =	vle.f32 v16, v9;
	vm10 =	vmand vm10, vm11;
	vm11 =	vle.f32 v22, v9;
	(pc) =	sbr.rel @!p2 .LBB2_21-.Ltmp9, $4  }
0x18a: {  	vm15 =	vle.f32 v25, v9;
	v11 =	vsel vm10, $0x1, v0;
	vm7 =	vmand vm7, vm11  }
0x18b: {  	v10 =	vadd.s32 v11, v10;
	v11 =	vsel vm7, $0x1, v0;
	vm7 =	vmand vm8, vm15  }
0x18c: {  	v10 =	vadd.s32 v11, v10;
	v11 =	vsel vm7, $0x1, v0;
	vm7 =	vmand vm9, vm13  }
0x18d: {  	s9 =	simm.s32 $0x8;
	s10 =	simm.s32 $0x20C0;
	vm6 =	vmand vm6, vm12;
	v10 =	vadd.s32 v11, v10;
	v11 =	vsel vm7, $0x1, v0  }
.LBB2_20:
0x18e: {  	v12 =	vld [tilespmem:s10+$0x30];
	v10 =	vadd.s32 v11, v10;
	v11 =	vsel vm6, $0x1, v0;
	vm2 =	vmand vm2, vm5  }
0x18f: {  	vm1 =	vmand vm1, vm4;
	v13 =	vld [tilespmem:s10+$0x20];
	v10 =	vadd.s32 v11, v10;
	v11 =	vsel vm2, $0x1, v0  }
0x190: {  	vm0 =	vmand vm0, vm3;
	s8 =	sadd.s32 $0x80, s8;
	v14 =	vld [tilespmem:s10+$0x10];
	v10 =	vadd.s32 v11, v10;
	v11 =	vsel vm1, $0x1, v0  }
0x191: {  	s11 =	sadd.s32 $0xFFFFFFE0, s8;
	s12 =	sadd.s32 $0xFFFFFFF0, s8;
	v16 =	vor.u32 s8, v1;
	v15 =	vld [tilespmem:s10+$0x0];
	v10 =	vadd.s32 v11, v10;
	v11 =	vsel vm0, $0x1, v0  }
0x192: {  	s13 =	sadd.s32 $0xFFFFFFB0, s8;
	s14 =	sadd.s32 $0xFFFFFFC0, s8;
	s15 =	sadd.s32 $0xFFFFFFD0, s8;
	v18 =	vor.u32 s12, v1;
	vm0 =	vlt.s32 v16, v8;
	v17 =	vld [tilespmem:s10+$0xFFFFFFF0];
	v10 =	vadd.s32 v11, v10  }
0x193: {  	s9 =	sadd.s32 $0x8, s9;
	s29 =	sadd.s32 $0xFFFFFFA0, s8;
	s12 =	sadd.s32 $0xFFFFFF90, s8;
	v19 =	vor.u32 s15, v1;
	v20 =	vor.u32 s11, v1;
	v16 =	vor.u32 s14, v1;
	v11 =	vld [tilespmem:s10+$0xFFFFFFC0]  }
0x194: {  	p2 =	slt.s32 s9, s0;
	v23 =	vor.u32 s29, v1;
	v24 =	vor.u32 s13, v1;
	v21 =	vor.u32 s12, v1;
	v22 =	vld [tilespmem:s10+$0xFFFFFFD0]  }
0x195: {  	vm6 =	vlt.s32 v19, v8;
	vm2 =	vlt.s32 v20, v8;
	vm1 =	vlt.s32 v18, v8;
	v25 =	vld [tilespmem:s10+$0xFFFFFFE0]  }
0x196: {  	vm7 =	vlt.s32 v23, v8;
	vm8 =	vlt.s32 v24, v8;
	vm9 =	vlt.s32 v16, v8  }
0x197: {  	vm10 =	vlt.s32 v21, v8;
	vm3 =	vle.f32 v12, v9;
	vm4 =	vle.f32 v13, v9  }
0x198: {  	vm5 =	vle.f32 v14, v9;
	vm12 =	vle.f32 v15, v9;
	vm11 =	vle.f32 v11, v9  }
.Ltmp10:
0x199: {  	vm13 =	vle.f32 v17, v9;
	vm10 =	vmand vm10, vm11;
	vm11 =	vle.f32 v22, v9;
	(pc) =	sbr.rel @p2 .LBB2_20-.Ltmp10, $4  }
0x19a: {  	v11 =	vsel vm10, $0x1, v0;
	vm7 =	vmand vm7, vm11;
	vm10 =	vle.f32 v25, v9  }
0x19b: {  	v10 =	vadd.s32 v11, v10;
	v11 =	vsel vm7, $0x1, v0;
	vm7 =	vmand vm8, vm10  }
0x19c: {  	v10 =	vadd.s32 v11, v10;
	v11 =	vsel vm7, $0x1, v0;
	vm7 =	vmand vm9, vm13  }
0x19d: {  	s10 =	sadd.s32 $0x80, s10;
	vm6 =	vmand vm6, vm12;
	v10 =	vadd.s32 v11, v10;
	v11 =	vsel vm7, $0x1, v0  }
.LBB2_21:
0x19e: {  	v10 =	vadd.s32 v11, v10;
	v11 =	vsel vm6, $0x1, v0;
	vm2 =	vmand vm2, vm5  }
0x19f: {  	vm1 =	vmand vm1, vm4;
	v10 =	vadd.s32 v11, v10;
	v11 =	vsel vm2, $0x1, v0  }
0x1a0: {  	vm0 =	vmand vm0, vm3;
	v10 =	vadd.s32 v11, v10;
	v11 =	vsel vm1, $0x1, v0  }
0x1a1: {  	v10 =	vadd.s32 v11, v10;
	v11 =	vsel vm0, $0x1, v0  }
0x1a2: {  	v10 =	vadd.s32 v11, v10  }
.LBB2_7:
.Ltmp11:
0x1a3: {  	(pc) =	sbr.rel @p1 .LBB2_10-.Ltmp11, $1  }
0x1a4: {  	_ =	sdelay $0x3  }
0x1a5: {  	s8 =	smov.u32 s2;
	s9 =	smov.u32 s28;
	s10 =	smov.u32 s0  }
.LBB2_9:
0x1a6: {  	v11 =	vld [tilespmem:s9+$0x0];
	_ =	sdelay $0x1  }
0x1a7: {  	s10 =	sadd.s32 $0x1, s10  }
0x1a8: {  	p2 =	slt.s32 s10, s31  }
.Ltmp12:
0x1a9: {  	v12 =	vor.u32 s8, v1;
	(pc) =	sbr.rel @p2 .LBB2_9-.Ltmp12, $4  }
0x1aa: {  	vm1 =	vlt.s32 v12, v8;
	vm0 =	vle.f32 v11, v9  }
0x1ab: {  	vm0 =	vmand vm1, vm0  }
0x1ac: {  	v11 =	vsel vm0, $0x1, v0  }
0x1ad: {  	s9 =	sadd.s32 $0x10, s9;
	s8 =	sadd.s32 $0x10, s8;
	v10 =	vadd.s32 v11, v10  }
.Ltmp13:
0x1ae: {  	_ = 	snop;
	(pc) =	sbr.rel .LBB2_10-.Ltmp13, $1  }
0x1af: {  	_ =	sdelay $0x3  }
.LBB2_11:
0x1b0: {  	s26 =	smov.u32 @p2 s26  }
.LBB2_12:
0x1b1: {  	v9 =	vmov s26  }
0x1b2: {  	v9 =	vbroadcast v9, $0x0;
	_ =	sdelay $0x1  }
0x1b3: {  	(xrf0) =	vmax.scan.msk.f32 $0xffff, v9;
	_ =	sdelay $0x1  }
0x1b4: {  	p0 =	slt.s32 s0, $0x1  }
.Ltmp14:
0x1b5: {  	_ = 	snop;
	(pc) =	sbr.rel @p0 .LBB2_13-.Ltmp14, $3  }
0x1b6: {  	_ =	sdelay $0x1  }
0x1b7: {  	v9, _, _ =	vpop (xrf0)  }
0x1b8: {  	v10 =	vimm.s32 $0x0;
	v9 =	vbroadcast v9, $0xF  }
0x1b9: {  	s2 =	simm.s32 $0x2040  }
0x1ba: {  	v11 =	vld [tilespmem:s2+$0x30]  }
0x1bb: {  	s6 =	simm.s32 $0x40;
	v15 =	vld [tilespmem:s2+$0xFFFFFFC0]  }
0x1bc: {  	s7 =	simm.s32 $0x60;
	s8 =	simm.s32 $0x20;
	s25 =	simm.s32 $0x0;
	v13 =	vld [tilespmem:s2+$0xFFFFFFD0];
	v14 =	vor.u32 s6, v1  }
0x1bd: {  	s9 =	simm.s32 $0x30;
	s28 =	simm.s32 $0x10;
	v16 =	vor.u32 s7, v1;
	v17 =	vld [tilespmem:s2+$0xFFFFFFE0];
	v18 =	vor.u32 s8, v1;
	v19 =	vor.u32 s25, v1  }
0x1be: {  	v12 =	vld [tilespmem:s2+$0x20];
	v20 =	vor.u32 s9, v1;
	v21 =	vor.u32 s28, v1;
	vm0 =	vlt.s32 v19, v8  }
0x1bf: {  	s5 =	simm.s32 $0x70;
	vm1 =	vlt.s32 v21, v8;
	vm5 =	vlt.s32 v18, v8;
	vm2 =	vlt.s32 v20, v8  }
0x1c0: {  	vm6 =	vlt.s32 v14, v8;
	v14 =	vor.u32 s5, v1;
	vm4 =	vle.f32 v15, v9  }
0x1c1: {  	vm11 =	vlt.s32 v14, v8;
	vm8 =	vle.f32 v11, v9;
	v11 =	vld [tilespmem:s2+$0x0];
	vm4 =	vmand vm0, vm4  }
0x1c2: {  	vm3 =	vle.f32 v13, v9;
	vm10 =	vle.f32 v17, v9;
	v14 =	vsel vm4, $0x1, v0  }
0x1c3: {  	vm7 =	vle.f32 v12, v9;
	v12 =	vld [tilespmem:s2+$0x10];
	vm3 =	vmand vm1, vm3;
	vm5 =	vmand vm5, vm10;
	(xrf0) =	vadd.scan.msk.s32 $0xffff, v14  }
0x1c4: {  	s29 =	simm.s32 $0x50;
	v15 =	vld [tilespmem:s2+$0xFFFFFFF0];
	vm0 =	vlt.s32 v16, v8;
	vm8 =	vmand vm11, vm8;
	v13 =	vmpcnt.ones.xlane vm4  }
0x1c5: {  	v16 =	vmpcnt.ones.xlane vm3;
	vm7 =	vmand vm0, vm7;
	v14 =	vor.u32 s29, v1  }
0x1c6: {  	v17 =	vadd.s32 v10, v13;
	v13 =	vsel vm3, $0x1, v0;
	vm10 =	vle.f32 v11, v9  }
0x1c7: {  	vm1 =	vlt.s32 v14, v8;
	(xrf0) =	vadd.scan.msk.s32 $0xffff, v13;
	v11 =	vsel vm7, $0x1, v0;
	vm10 =	vmand vm6, vm10  }
0x1c8: {  	v14 =	vmpcnt.ones.xlane vm5;
	vm0 =	vle.f32 v12, v9;
	(xrf0) =	vadd.scan.msk.s32 $0xffff, v11;
	v13 =	vsel vm10, $0x1, v0  }
0x1c9: {  	v12 =	vadd.s32 v17, v16;
	vm6 =	vle.f32 v15, v9;
	v11 =	vsel vm8, $0x1, v0;
	v16, _, _ =	vpop (xrf0);
	(xrf0) =	vadd.scan.msk.s32 $0xffff, v13  }
0x1ca: {  	vm2 =	vmand vm2, vm6;
	(xrf0) =	vadd.scan.msk.s32 $0xffff, v11  }
0x1cb: {  	vm1 =	vmand vm1, vm0;
	v13 =	vadd.s32 v12, v14;
	v14 =	vmpcnt.ones.xlane vm2  }
0x1cc: {  	v15 =	vsel vm5, $0x1, v0;
	v10 =	vadd.s32 v16, v10;
	v11 =	vmpcnt.ones.xlane vm10  }
0x1cd: {  	v10 =	vadd.s32 $0xFFFFFFFF, v10;
	v18, _, _ =	vpop (xrf0);
	v22 =	vadd.s32 v13, v14;
	v14 =	vmpcnt.ones.xlane vm1  }
0x1ce: {  	(xrf0) =	vadd.scan.msk.s32 $0xffff, v15;
	v15 =	vadd.s32 v18, v17;
	v17 =	vmpcnt.ones.xlane vm7;
	v21 =	vadd.s32 v22, v11;
	v18, _, _ =	vpop (xrf0)  }
0x1cf: {  	p1 =	sgt.s32 s0, $0x8;
	v20 =	vsel vm1, $0x1, v0;
	vm6 =	vlt.s32 v10, $0x7F;
	v19 =	vadd.s32 v21, v14;
	v23, _, _ =	vpop (xrf0)  }
.Ltmp15:
0x1d0: {  	v14 =	vadd.s32 v18, v19;
	v24 =	vadd.s32 v19, v17;
	v18 =	vnsel vm6, $0x7F, v10;
	v10, _, _ =	vpop (xrf0);
	(pc) =	sbr.rel @!p1 .LBB2_23-.Ltmp15, $4  }
0x1d1: {  	s26 =	simm.s32 $0x2840;
	v15 =	vadd.s32 $0xFFFFFFFF, v15;
	v22 =	vadd.s32 v23, v22;
	v23 =	vadd.s32 v10, v24  }
0x1d2: {  	v11 =	vmpcnt.ones.xlane vm8;
	(xrf0) =	vadd.scan.msk.s32 $0xffff, v20;
	v20 =	vld [tilespmem:s26+$0xFFFFFFD0];
	vm6 =	vlt.s32 v15, $0x7F  }
0x1d3: {  	p0 =	por $0x0, $0x0;
	vm12 =	vmmov vm5;
	v16 =	vsel vm2, $0x1, v0;
	v19 =	vld [tilespmem:s26+$0xFFFFFFC0];
	v17 =	vnsel vm6, $0x7F, v15  }
0x1d4: {  	s25 =	simm.s32 $0x28C0;
	s5 =	simm.s32 $0xF0;
	s2 =	simm.s32 $0x20C0;
	(xrf0) =	vadd.scan.msk.s32 $0xffff, v16;
	v15 =	vld [tilespmem:s26+$0x10];
	v10 =	vadd.s32 v24, v11;
	v16 =	vadd.s32 $0xFFFFFFFF, v22;
	v11 =	vadd.s32 $0xFFFFFFFF, v23;
	v23, _, _ =	vpop (xrf0)  }
0x1d5: {  	vm0 =	vmmov vm7;
	v22 =	vimm.s32 $0x0  }
0x1d6: {  	v22 =	vsel vm0, $0xFFFFFFFF, v22  }
0x1d7: {  	s6 =	simm.s32 $0xC0;
	s7 =	simm.s32 $0xE0;
	vm11 =	vlt.s32 v16, $0x7F;
	vm9 =	vmmov vm8;
	vm5 =	vmmov vm12;
	[tilespmem:$0x1FFF0] =	vst v22  }
0x1d8: {  	s8 =	simm.s32 $0xA0;
	s9 =	simm.s32 $0xB0;
	s15 =	simm.s32 $0x80;
	v12 =	vadd.s32 v23, v12;
	v24 =	vor.u32 s6, v1;
	v25 =	vor.u32 s7, v1;
	v28 =	vld [tilespmem:s2+$0x20]  }
0x1d9: {  	s28 =	simm.s32 $0x90;
	v26 =	vor.u32 s8, v1;
	v27 =	vor.u32 s9, v1;
	v29 =	vor.u32 s15, v1;
	v61 =	vld [tilespmem:s2+$0xFFFFFFC0];
	v22, _, _ =	vpop (xrf0)  }
0x1da: {  	v30 =	vor.u32 s28, v1;
	v12 =	vadd.s32 $0xFFFFFFFF, v12;
	v21 =	vadd.s32 v22, v21;
	v22 =	vld [tilespmem:s2+$0xFFFFFFE0]  }
0x1db: {  	v16 =	vnsel vm11, $0x7F, v16;
	vm8 =	vlt.s32 v29, v8;
	vm0 =	vlt.s32 v26, v8;
	v26 =	vld [tilespmem:s2+$0xFFFFFFD0]  }
0x1dc: {  	vm14 =	vlt.s32 v30, v8;
	vm12 =	vlt.s32 v27, v8;
	v27 =	vld [tilespmem:s2+$0x30];
	v21 =	vadd.s32 $0xFFFFFFFF, v21  }
0x1dd: {  	s29 =	simm.s32 $0xD0;
	vm13 =	vlt.s32 v24, v8;
	v24 =	vor.u32 s5, v1;
	[tilespmem:v17+s22+$0x0] =	vst.idx.msk vm3, v20;
	v17 =	vld [tilespmem:s26+$0x0];
	v62, _, _ =	vpop (xrf0);
	vm7 =	vlt.s32 v21, $0x7F  }
0x1de: {  	v23 =	vld [tilespmem:s2+$0x10];
	v20 =	vor.u32 s29, v1;
	v13 =	vadd.s32 v62, v13;
	v21 =	vnsel vm7, $0x7F, v21  }
0x1df: {  	[tilespmem:v18+s22+$0x0] =	vst.idx.msk vm4, v19;
	v18 =	vld [tilespmem:s26+$0xFFFFFFF0];
	v13 =	vadd.s32 $0xFFFFFFFF, v13;
	vm15 =	vle.f32 v28, v9;
	vm7 =	vle.f32 v22, v9  }
0x1e0: {  	vm4 =	vle.f32 v61, v9;
	v22 =	vld [tilespmem:s2+$0x0];
	vm6 =	vmand vm0, vm7;
	vm7 =	vlt.s32 v13, $0x7F  }
0x1e1: {  	v19 =	vld [tilespmem:s2+$0xFFFFFFF0];
	vm3 =	vle.f32 v26, v9;
	vm11 =	vle.f32 v27, v9;
	v13 =	vnsel vm7, $0x7F, v13  }
0x1e2: {  	[tilespmem:v16+s22+$0x0] =	vst.idx.msk vm10, v17;
	vm4 =	vmand vm8, vm4;
	vm3 =	vmand vm14, vm3;
	vm8 =	vlt.s32 v20, v8  }
0x1e3: {  	vm7 =	vlt.s32 v25, v8;
	v17 =	vmpcnt.ones.xlane vm6;
	[tilespmem:v21+s22+$0x0] =	vst.idx.msk vm1, v15;
	vm1 =	vle.f32 v23, v9  }
0x1e4: {  	vm7 =	vmand vm7, vm15;
	v15 =	vsel vm4, $0x1, v0;
	vm1 =	vmand vm8, vm1  }
0x1e5: {  	vm8 =	vlt.s32 v24, v8;
	(xrf0) =	vadd.scan.msk.s32 $0xffff, v15;
	v15 =	vsel vm3, $0x1, v0;
	vm0 =	vle.f32 v22, v9  }
0x1e6: {  	(xrf0) =	vadd.scan.msk.s32 $0xffff, v15;
	[tilespmem:v13+s22+$0x0] =	vst.idx.msk vm2, v18;
	v13 =	vmpcnt.ones.xlane vm4;
	vm2 =	vle.f32 v19, v9  }
0x1e7: {  	vm8 =	vmand vm8, vm11;
	vm10 =	vmand vm13, vm0;
	vm2 =	vmand vm12, vm2  }
0x1e8: {  	vm12 =	vlt.s32 v12, $0x7F;
	v16 =	vadd.s32 v10, v13;
	v13 =	vsel vm7, $0x1, v0  }
0x1e9: {  	v18 =	vsel vm10, $0x1, v0;
	v15 =	vnsel vm12, $0x7F, v12;
	v12 =	vmpcnt.ones.xlane vm3;
	(xrf0) =	vadd.scan.msk.s32 $0xffff, v13  }
0x1ea: {  	v19 =	vsel vm8, $0x1, v0;
	(xrf0) =	vadd.scan.msk.s32 $0xffff, v18  }
0x1eb: {  	v20 =	vsel vm6, $0x1, v0;
	v21, _, _ =	vpop (xrf0);
	v12 =	vadd.s32 v16, v12;
	(xrf0) =	vadd.scan.msk.s32 $0xffff, v19  }
0x1ec: {  	v13 =	vadd.s32 v12, v17;
	v17, _, _ =	vpop (xrf0);
	(xrf0) =	vadd.scan.msk.s32 $0xffff, v20;
	v20 =	vld [tilespmem:$0x1FFF0];
	_ =	sdelay $0x1  }
0x1ed: {  	v14 =	vadd.s32 $0xFFFFFFFF, v14  }
0x1ee: {  	vm11 =	vlt.s32 v14, $0x7F  }
0x1ef: {  	v14 =	vnsel vm11, $0x7F, v14;
	vm11 =	vlt.s32 v11, $0x7F;
	v18 =	vmpcnt.ones.xlane vm2  }
0x1f0: {  	v23 =	vld [tilespmem:s26+$0xFFFFFFE0];
	v10 =	vadd.s32 v21, v10;
	v16 =	vadd.s32 v17, v16;
	vm0 =	vnez.u8 v20  }
0x1f1: {  	v24 =	vnsel vm11, $0x7F, v11;
	v19 =	vld [tilespmem:s26+$0x20];
	v10 =	vadd.s32 $0xFFFFFFFF, v10;
	v11 =	vadd.s32 $0xFFFFFFFF, v16  }
0x1f2: {  	v21 =	vmpcnt.ones.xlane vm10;
	v25 =	vadd.s32 v13, v18;
	vm11 =	vlt.s32 v10, $0x7F  }
0x1f3: {  	p1 =	sgt.s32 s0, $0x10;
	v16 =	vmpcnt.ones.xlane vm1;
	v18 =	vnsel vm11, $0x7F, v10;
	vm11 =	vlt.s32 v11, $0x7F  }
.Ltmp16:
0x1f4: {  	v10 =	vmpcnt.ones.xlane vm7;
	v21 =	vadd.s32 v25, v21;
	v17 =	vnsel vm11, $0x7F, v11;
	v11, _, _ =	vpop (xrf0);
	(pc) =	sbr.rel @!p1 .LBB2_25-.Ltmp16, $4  }
0x1f5: {  	v22 =	vld [tilespmem:s26+$0x30];
	v27 =	vmpcnt.ones.xlane vm8;
	v26 =	vsel vm2, $0x1, v0;
	[tilespmem:v15+s22+$0x0] =	vst.idx.msk vm5, v23;
	v16 =	vadd.s32 v21, v16;
	v63, _, _ =	vpop (xrf0)  }
0x1f6: {  	v15 =	vsel vm1, $0x1, v0;
	v10 =	vadd.s32 v16, v10;
	v20 =	vld [tilespmem:s25+$0xFFFFFFD0];
	[tilespmem:v14+s22+$0x0] =	vst.idx.msk vm0, v19;
	v14 =	vadd.s32 v11, v16;
	v11, _, _ =	vpop (xrf0)  }
0x1f7: {  	p0 =	por $0x1, $0x1;
	s6 =	simm.s32 $0x2140;
	vm12 =	vmmov vm6;
	(xrf0) =	vadd.scan.msk.s32 $0xffff, v15;
	v15 =	vadd.s32 v63, v25;
	v19 =	vld [tilespmem:s25+$0xFFFFFFC0];
	v11 =	vadd.s32 v11, v10  }
0x1f8: {  	s7 =	simm.s32 $0x2940;
	s5 =	simm.s32 $0x170;
	s2 =	simm.s32 $0x10;
	(xrf0) =	vadd.scan.msk.s32 $0xffff, v26;
	v16 =	vadd.s32 $0xFFFFFFFF, v15;
	v15 =	vld [tilespmem:s25+$0x10];
	v10 =	vadd.s32 v10, v27;
	v23, _, _ =	vpop (xrf0);
	v11 =	vadd.s32 $0xFFFFFFFF, v11  }
.LBB2_26:
0x1f9: {  	v25 =	vimm.s32 $0x0  }
0x1fa: {  	v25 =	vsel vm10, $0xFFFFFFFF, v25  }
0x1fb: {  	[tilespmem:$0x1FFB0] =	vst v25;
	v25 =	vimm.s32 $0x0  }
0x1fc: {  	v25 =	vsel vm12, $0xFFFFFFFF, v25  }
0x1fd: {  	[tilespmem:$0x1FFE0] =	vst v25  }
0x1fe: {  	v25 =	vld [tilespmem:s6+$0x30];
	v26, _, _ =	vpop (xrf0);
	[tilespmem:v24+s22+$0x0] =	vst.idx.msk vm9, v22  }
0x1ff: {  	vm0 =	vlt.s32 v11, $0x7F;
	v28 =	vimm.s32 $0x0;
	[tilespmem:v18+s22+$0x0] =	vst.idx.msk vm4, v19;
	v18 =	vadd.s32 v26, v21  }
0x200: {  	v27 =	vsel vm0, $0xFFFFFFFF, v28;
	v24 =	vld [tilespmem:s6+$0x20];
	[tilespmem:v17+s22+$0x0] =	vst.idx.msk vm3, v20;
	v17 =	vadd.s32 $0xFFFFFFFF, v18  }
0x201: {  	vm0 =	vmmov vm7;
	v22 =	vimm.s32 $0x0;
	v21 =	vld [tilespmem:s6+$0xFFFFFFE0];
	vm7 =	vlt.s32 v17, $0x7F  }
0x202: {  	s8 =	sadd.s32 $0xFFFFFFD0, s5;
	s10 =	sadd.s32 $0xFFFFFFB0, s5;
	v22 =	vsel vm0, $0xFFFFFFFF, v22;
	v17 =	vnsel vm7, $0x7F, v17  }
0x203: {  	v12 =	vadd.s32 v23, v12;
	v19, _, _ =	vpop (xrf0);
	v26 =	vor.u32 s10, v1;
	[tilespmem:$0x1FFD0] =	vst v22;
	v22 =	vor.u32 s8, v1  }
0x204: {  	s9 =	sadd.s32 $0xFFFFFFF0, s5;
	v20 =	vld [tilespmem:s6+$0xFFFFFFD0];
	vm7 =	vlt.s32 v26, v8;
	v26 =	vadd.s32 $0xFFFFFFFF, v12;
	v12 =	vadd.s32 v19, v13  }
0x205: {  	[tilespmem:$0x1FFC0] =	vst v27;
	v27 =	vor.u32 s9, v1;
	v30 =	vld [tilespmem:s6+$0xFFFFFFC0];
	vm14 =	vlt.s32 v22, v8;
	v12 =	vadd.s32 $0xFFFFFFFF, v12  }
0x206: {  	s29 =	sadd.s32 $0xFFFFFFE0, s5;
	v22 =	vld [tilespmem:s6+$0x10];
	vm5 =	vle.f32 v24, v9;
	vm11 =	vle.f32 v21, v9;
	vm9 =	vlt.s32 v12, $0x7F  }
0x207: {  	v13 =	vld [tilespmem:s25+$0xFFFFFFF0];
	vm11 =	vmand vm7, vm11;
	[tilespmem:v17+s22+$0x0] =	vst.idx.msk vm1, v15;
	vm1 =	vlt.s32 v27, v8;
	v17 =	vor.u32 s29, v1  }
0x208: {  	v15 =	vnsel vm9, $0x7F, v12;
	vm7 =	vmand vm1, vm5;
	vm1 =	vlt.s32 v17, v8;
	v17 =	vld [tilespmem:$0x1FFB0]  }
0x209: {  	s26 =	sadd.s32 $0xFFFFFF90, s5  }
0x20a: {  	v18 =	vor.u32 s26, v1  }
0x20b: {  	vm13 =	vlt.s32 v16, $0x7F;
	s28 =	sadd.s32 $0xFFFFFFA0, s5;
	vm4 =	vlt.s32 v18, v8;
	vm0 =	vle.f32 v30, v9  }
0x20c: {  	v23 =	vor.u32 s5, v1;
	v61 =	vld [tilespmem:s6+$0xFFFFFFF0];
	v29 =	vor.u32 s28, v1;
	vm4 =	vmand vm4, vm0  }
0x20d: {  	v18 =	vld [tilespmem:s6+$0x0];
	vm6 =	vle.f32 v20, v9;
	v20 =	vsel vm4, $0x1, v0;
	[tilespmem:v15+s22+$0x0] =	vst.idx.msk vm2, v13;
	vm2 =	vnez.u8 v17  }
0x20e: {  	s11 =	sadd.s32 $0xFFFFFFC0, s5;
	vm10 =	vmmov vm8;
	v16 =	vnsel vm13, $0x7F, v16;
	vm3 =	vlt.s32 v29, v8;
	v19 =	vld [tilespmem:s25+$0x0];
	(xrf0) =	vadd.scan.msk.s32 $0xffff, v20  }
0x20f: {  	v60 =	vor.u32 s11, v1;
	vm15 =	vlt.s32 v23, v8;
	vm3 =	vmand vm3, vm6  }
0x210: {  	vm12 =	vlt.s32 v60, v8;
	v12 =	vmpcnt.ones.xlane vm4;
	v20 =	vsel vm3, $0x1, v0  }
0x211: {  	v21 =	vmpcnt.ones.xlane vm3;
	vm0 =	vle.f32 v22, v9;
	(xrf0) =	vadd.scan.msk.s32 $0xffff, v20;
	v15 =	vsel vm7, $0x1, v0  }
0x212: {  	v23 =	vadd.s32 v10, v12;
	vm1 =	vmand vm1, vm0;
	vm0 =	vle.f32 v18, v9  }
0x213: {  	vm9 =	vmmov vm10;
	v12 =	vadd.s32 v23, v21;
	[tilespmem:v16+s22+$0x0] =	vst.idx.msk vm2, v19;
	vm2 =	vle.f32 v61, v9  }
0x214: {  	vm10 =	vmand vm14, vm0;
	v13 =	vmpcnt.ones.xlane vm11;
	(xrf0) =	vadd.scan.msk.s32 $0xffff, v15;
	v15, _, _ =	vpop (xrf0);
	vm2 =	vmand vm12, vm2  }
0x215: {  	v18 =	vsel vm10, $0x1, v0;
	v10 =	vadd.s32 v15, v10;
	v15 =	vmpcnt.ones.xlane vm2  }
0x216: {  	v13 =	vadd.s32 v12, v13;
	(xrf0) =	vadd.scan.msk.s32 $0xffff, v18;
	v18 =	vmpcnt.ones.xlane vm10  }
0x217: {  	vm8 =	vle.f32 v25, v9;
	v21, _, _ =	vpop (xrf0);
	v15 =	vadd.s32 v13, v15  }
0x218: {  	vm8 =	vmand vm15, vm8;
	v23 =	vadd.s32 v21, v23;
	v21 =	vadd.s32 v15, v18;
	v18 =	vld [tilespmem:$0x1FFC0]  }
0x219: {  	v16 =	vsel vm8, $0x1, v0  }
0x21a: {  	v14 =	vadd.s32 $0xFFFFFFFF, v14;
	v17 =	vsel vm11, $0x1, v0;
	(xrf0) =	vadd.scan.msk.s32 $0xffff, v16  }
0x21b: {  	vm5 =	vlt.s32 v14, $0x7F;
	v10 =	vadd.s32 $0xFFFFFFFF, v10;
	(xrf0) =	vadd.scan.msk.s32 $0xffff, v17;
	v17 =	vmpcnt.ones.xlane vm1  }
0x21c: {  	v14 =	vnsel vm5, $0x7F, v14;
	vm0 =	vlt.s32 v10, $0x7F  }
0x21d: {  	vm5 =	vnez.u8 v18;
	v18 =	vnsel vm0, $0x7F, v10;
	v10 =	vadd.s32 v21, v17;
	v17 =	vld [tilespmem:$0x1FFD0];
	_ =	sdelay $0x2  }
0x21e: {  	v23 =	vadd.s32 $0xFFFFFFFF, v23  }
0x21f: {  	vm0 =	vlt.s32 v23, $0x7F  }
0x220: {  	v24 =	vnsel vm5, $0x7F, v11;
	vm5 =	vnez.u8 v17;
	v17 =	vnsel vm0, $0x7F, v23;
	v23 =	vld [tilespmem:$0x1FFE0];
	_ =	sdelay $0x4  }
0x221: {  	vm6 =	vlt.s32 v26, $0x7F;
	v16 =	vld [tilespmem:s25+$0x20];
	vm0 =	vnez.u8 v23  }
0x222: {  	s2 =	sadd.s32 $0x8, s2;
	v25 =	vnsel vm6, $0x7F, v26;
	v26 =	vld [tilespmem:s25+$0xFFFFFFE0]  }
0x223: {  	p1 =	slt.s32 s2, s0  }
.Ltmp17:
0x224: {  	v62 =	vmpcnt.ones.xlane vm8;
	v27 =	vmpcnt.ones.xlane vm7;
	v63, _, _ =	vpop (xrf0);
	(pc) =	sbr.rel @p1 .LBB2_26-.Ltmp17, $4  }
0x225: {  	v22 =	vld [tilespmem:s25+$0x30];
	v20 =	vsel vm1, $0x1, v0;
	vm12 =	vmmov vm11;
	v19 =	vsel vm2, $0x1, v0;
	v11, _, _ =	vpop (xrf0)  }
0x226: {  	(xrf0) =	vadd.scan.msk.s32 $0xffff, v20;
	v20 =	vld [tilespmem:s7+$0xFFFFFFD0];
	[tilespmem:v14+s22+$0x0] =	vst.idx.msk vm5, v16;
	v14 =	vadd.s32 v63, v10;
	v10 =	vadd.s32 v10, v27;
	v16, _, _ =	vpop (xrf0)  }
0x227: {  	s25 =	smov.u32 s7;
	(xrf0) =	vadd.scan.msk.s32 $0xffff, v19;
	v19 =	vld [tilespmem:s7+$0xFFFFFFC0];
	v11 =	vadd.s32 v11, v15;
	[tilespmem:v25+s22+$0x0] =	vst.idx.msk vm0, v26;
	v25 =	vadd.s32 v16, v10  }
0x228: {  	s5 =	sadd.s32 $0x80, s5;
	s6 =	sadd.s32 $0x80, s6;
	s7 =	sadd.s32 $0x80, s7;
	v15 =	vld [tilespmem:s25+$0x10];
	v23, _, _ =	vpop (xrf0);
	v10 =	vadd.s32 v10, v62;
	v16 =	vadd.s32 $0xFFFFFFFF, v11;
	v11 =	vadd.s32 $0xFFFFFFFF, v25  }
0x229: {  	s26 =	smov.u32 s25  }
.LBB2_28:
0x22a: {  	_ = 	snop  }
0x22b: {  	vm0 =	vlt.s32 v16, $0x7F  }
0x22c: {  	v12 =	vadd.s32 v23, v12;
	v14 =	vadd.s32 $0xFFFFFFFF, v14;
	vm14 =	vlt.s32 v11, $0x7F  }
0x22d: {  	v60 =	vld [tilespmem:s26+$0x0];
	v12 =	vadd.s32 $0xFFFFFFFF, v12;
	v16 =	vnsel vm0, $0x7F, v16;
	vm11 =	vlt.s32 v14, $0x7F;
	v25, _, _ =	vpop (xrf0)  }
0x22e: {  	v63 =	vld [tilespmem:s26+$0x30];
	v11 =	vnsel vm14, $0x7F, v11;
	vm13 =	vlt.s32 v12, $0x7F;
	v21 =	vadd.s32 v25, v21;
	v58, _, _ =	vpop (xrf0)  }
0x22f: {  	[tilespmem:v24+s22+$0x0] =	vst.idx.msk @p0 vm9, v22;
	v61 =	vld [tilespmem:s26+$0x20];
	v14 =	vnsel vm11, $0x7F, v14;
	v21 =	vadd.s32 $0xFFFFFFFF, v21;
	v13 =	vadd.s32 v58, v13  }
0x230: {  	v62 =	vld [tilespmem:s26+$0xFFFFFFE0];
	[tilespmem:v17+s22+$0x0] =	vst.idx.msk vm3, v20;
	v12 =	vnsel vm13, $0x7F, v12;
	vm5 =	vlt.s32 v21, $0x7F;
	v13 =	vadd.s32 $0xFFFFFFFF, v13  }
0x231: {  	[tilespmem:v18+s22+$0x0] =	vst.idx.msk vm4, v19;
	v21 =	vnsel vm5, $0x7F, v21;
	vm15 =	vlt.s32 v13, $0x7F  }
0x232: {  	v59 =	vld [tilespmem:s26+$0xFFFFFFF0];
	[tilespmem:v16+s22+$0x0] =	vst.idx.msk vm10, v60;
	v13 =	vnsel vm15, $0x7F, v13  }
0x233: {  	[tilespmem:v11+s22+$0x0] =	vst.idx.msk vm8, v63  }
0x234: {  	[tilespmem:v14+s22+$0x0] =	vst.idx.msk vm7, v61  }
0x235: {  	[tilespmem:v12+s22+$0x0] =	vst.idx.msk vm12, v62  }
0x236: {  	[tilespmem:v21+s22+$0x0] =	vst.idx.msk vm1, v15  }
0x237: {  	vm6 =	vmmov vm7;
	vm15 =	vmmov vm8;
	[tilespmem:v13+s22+$0x0] =	vst.idx.msk vm2, v59  }
.LBB2_13:
0x238: {  	p0 =	slt.s32 s1, $0x1  }
.Ltmp18:
0x239: {  	_ = 	snop;
	(pc) =	sbr.rel @p0 .LBB2_16-.Ltmp18, $1  }
0x23a: {  	_ =	sdelay $0x3  }
0x23b: {  	s2 =	sshra.s32 s24, $0x2;
	s5 =	sshll.u32 s1, $0x4  }
0x23c: {  	s1 =	sadd.s32 $0x2000, s2;
	s2 =	sadd.s32 $0x2800, s2;
	s5 =	ssub.s32 s23, s5  }
.LBB2_15:
0x23d: {  	v11 =	vld [tilespmem:s1+$0x0];
	_ =	sdelay $0x3  }
0x23e: {  	v12 =	vor.u32 s5, v1  }
0x23f: {  	vm1 =	vlt.s32 v12, v8;
	vm0 =	vle.f32 v11, v9  }
0x240: {  	vm0 =	vmand vm1, vm0  }
0x241: {  	v11 =	vsel vm0, $0x1, v0  }
0x242: {  	(xrf0) =	vadd.scan.msk.s32 $0xffff, v11;
	_ =	sdelay $0x5  }
0x243: {  	v11, _, _ =	vpop (xrf0)  }
0x244: {  	v11 =	vadd.s32 v11, v10  }
0x245: {  	v11 =	vadd.s32 $0xFFFFFFFF, v11  }
0x246: {  	s0 =	sadd.s32 $0x1, s0;
	vm15 =	vlt.s32 v11, $0x7F  }
0x247: {  	v63 =	vld [tilespmem:s2+$0x0];
	p0 =	slt.s32 s0, s31;
	v11 =	vnsel vm15, $0x7F, v11  }
.Ltmp19:
0x248: {  	_ = 	snop;
	(pc) =	sbr.rel @p0 .LBB2_15-.Ltmp19, $3  }
0x249: {  	_ = 	snop  }
0x24a: {  	v13 =	vmpcnt.ones.xlane vm0;
	_ =	sdelay $0x1  }
0x24b: {  	s1 =	sadd.s32 $0x10, s1;
	s2 =	sadd.s32 $0x10, s2;
	s5 =	sadd.s32 $0x10, s5;
	v10 =	vadd.s32 v10, v13;
	[tilespmem:v11+s22+$0x0] =	vst.idx.msk vm0, v63  }
.Ltmp20:
0x24c: {  	_ = 	snop;
	(pc) =	sbr.rel .LBB2_16-.Ltmp20, $1  }
0x24d: {  	_ =	sdelay $0x3  }
.LBB2_23:
.Ltmp21:
0x24e: {  	(pc) =	sbr.rel .LBB2_28-.Ltmp21, $2  }
0x24f: {  	_ =	sdelay $0x2  }
0x250: {  	_ = 	snop  }
.LBB2_25:
.Ltmp22:
0x251: {  	(pc) =	sbr.rel .LBB2_28-.Ltmp22, $2  }
0x252: {  	_ =	sdelay $0x2  }
0x253: {  	s26 =	simm.s32 $0x28C0  }
.LBB2_18:
0x254: {  	_ =	sfence.sel $0x180000  }
0x255: {  	[bflag:$0x0] =	sbarrier.arrive $0xFFFF  }
0x256: {  	_ =	strace $0x90000047  }
0x257: {  	s0 =	stileid.u32;
	[bflag:$0x2] =	sbarrier.arrive $0xFFFF  }
0x258: {  	p0 =	sne.s32 s0, $0x0;
	s0 =	rddreg [dreg:$0x2]  }
0x259: {  	s0 =	sadd.s32 @!p0 $0x100000, s0  }
0x25a: {  	[sflag:s0] =	ssyncadd.tile.s32 @!p0 $0x1;
	_ =	shalt  }
.Lfunc_end2:
_tile_overlayer_lowered:
.L_overlay_start_2:
0x25b: {  	(tag) =	ssettag $0x2  }
0x25c: {  	s0 =	rddreg [dreg:$0x0];
	s2 =	stileid.u32  }
0x25d: {  	s1 =	rddreg [dreg:$0x1];
	p0 =	sne.s32 s2, $0x0  }
0x25e: {  	s3 =	rddreg [dreg:$0x2];
	[bflag:$0x3] =	sbarrier.arrive $0xFFFF;
	s2 =	simm.s32 @!p0 $0x1C01  }
0x25f: {  	[timem:s3], [sflag:s2] =	dma.local @!p0 [hbm:s0], s1  }
0x260: {  	s0 =	simm.s32 @!p0 $0x1  }
0x261: {  	_ =	swait.ge @!p0 [sflag:s0], s1  }
0x262: {  	s1 =	ssub.s32 @!p0 $0x0, s1;
	[sflag:s0] =	ssyncset.done @!p0 $0x0  }
0x263: {  	[sflag:s0] =	ssyncadd.s32 @!p0 s1  }
0x264: {  	[bflag:$0x3] =	sbarrier.arrive $0xFFFF  }
0x265: {  	_ =	shalt  }

</sc_bundles>
